<compile_context>
chip_gen: v7x
topology: tpu7x:2x2x1
jax: 0.10.2.dev20260603
libtpu: 0.0.44.dev20260713+nightly
codegen_flags: <defaults>
</compile_context>

<pallas_src>
import functools

import jax
import jax.numpy as jnp
from jax import lax
from jax.experimental import pallas as pl
from jax.experimental.pallas import tpu as pltpu
from jax.experimental.pallas import tpu_sc as plsc

N_NODES = 10000
D = 256
DH = 128
N_PAD = N_NODES + 8
CNT_W = 128
EDGE_CHUNK = 128
NT = 16


def _prep_edges(edge_index):
    src = edge_index[0]
    dst = edge_index[1]
    e = src.shape[0]
    per = NT * EDGE_CHUNK
    e_pad = ((e + per - 1) // per) * per
    pad = e_pad - e
    if pad:
        src = jnp.concatenate([src, jnp.zeros((pad,), jnp.int32)])
        dst = jnp.concatenate([dst, jnp.full((pad,), N_NODES, jnp.int32)])
    ch = e_pad // per
    return src.reshape(NT, ch, EDGE_CHUNK), dst.reshape(NT, ch, EDGE_CHUNK), ch


@functools.cache
def _make_aggregate(ch):
    mesh = plsc.VectorSubcoreMesh(core_axis_name="c", subcore_axis_name="s")
    out_type = [
        jax.ShapeDtypeStruct((N_PAD, DH), jnp.float32),
        jax.ShapeDtypeStruct((N_PAD, DH), jnp.float32),
    ]
    scratch = [
        pltpu.VMEM((ch, EDGE_CHUNK), jnp.int32),
        pltpu.VMEM((ch, EDGE_CHUNK), jnp.int32),
        pltpu.VMEM((EDGE_CHUNK, DH), jnp.float32),
        pltpu.VMEM_SHARED((N_PAD, DH), jnp.float32),
    ]

    @functools.partial(pl.kernel, out_type=out_type, mesh=mesh,
                       scratch_types=scratch)
    def agg(x_lo, x_hi, srcr, dstr, zeros_feat,
            out_lo, out_hi, src_v, dst_v, rows, acc):
        c = lax.axis_index("c")
        s = lax.axis_index("s")

        @pl.when(s == 0)
        def _():
            pltpu.sync_copy(zeros_feat, acc)

        pltpu.sync_copy(srcr.at[s], src_v)
        pltpu.sync_copy(dstr.at[s], dst_v)
        plsc.subcore_barrier()

        @pl.loop(0, ch)
        def _(j):
            @pl.when(c == 0)
            def _():
                pltpu.sync_copy(x_lo.at[src_v.at[j]], rows)

            @pl.when(c == 1)
            def _():
                pltpu.sync_copy(x_hi.at[src_v.at[j]], rows)

            pltpu.sync_copy(rows, acc.at[dst_v.at[j]], add=True)

        plsc.subcore_barrier()

        @pl.when((s == 0) & (c == 0))
        def _():
            pltpu.sync_copy(acc, out_lo)

        @pl.when((s == 0) & (c == 1))
        def _():
            pltpu.sync_copy(acc, out_hi)

    return agg


def _prep_cnt(edge_index):
    dst = edge_index[1]
    e = dst.shape[0]
    per = 2 * NT * EDGE_CHUNK
    e_pad = ((e + per - 1) // per) * per
    pad = e_pad - e
    if pad:
        dst = jnp.concatenate([dst, jnp.full((pad,), N_NODES, jnp.int32)])
    ch = e_pad // per
    return dst.reshape(2 * NT, ch, EDGE_CHUNK), ch


@functools.cache
def _make_counts(ch):
    mesh = plsc.VectorSubcoreMesh(core_axis_name="c", subcore_axis_name="s")
    out_type = [
        jax.ShapeDtypeStruct((2, N_PAD, CNT_W), jnp.float32),
    ]
    scratch = [
        pltpu.VMEM((ch, EDGE_CHUNK), jnp.int32),
        pltpu.VMEM((EDGE_CHUNK, CNT_W), jnp.float32),
        pltpu.VMEM_SHARED((N_PAD, CNT_W), jnp.float32),
    ]

    @functools.partial(pl.kernel, out_type=out_type, mesh=mesh,
                       scratch_types=scratch)
    def cnt(dstr, zeros_cnt, ones_hbm, out_c, dst_v, ones_v, cacc):
        c = lax.axis_index("c")
        s = lax.axis_index("s")

        @pl.when(s == 0)
        def _():
            pltpu.sync_copy(zeros_cnt, cacc)

        pltpu.sync_copy(dstr.at[c * NT + s], dst_v)
        pltpu.sync_copy(ones_hbm, ones_v)
        plsc.subcore_barrier()

        @pl.loop(0, ch)
        def _(j):
            pltpu.sync_copy(ones_v, cacc.at[dst_v.at[j]], add=True)

        plsc.subcore_barrier()

        @pl.when(s == 0)
        def _():
            pltpu.sync_copy(cacc, out_c.at[c])

    return cnt


_R = 1000


def _layer1_body(slo_ref, shi_ref, cnta_ref, cntb_ref, x_ref, wlt_ref,
                 wlb_ref, wr_ref, b_ref, hlo_ref, hhi_ref):
    inv = 1.0 / jnp.maximum(cnta_ref[0][:, 0:1] + cntb_ref[0][:, 0:1], 1.0)
    h = (jnp.dot(slo_ref[...] * inv, wlt_ref[...],
                 preferred_element_type=jnp.float32)
         + jnp.dot(shi_ref[...] * inv, wlb_ref[...],
                   preferred_element_type=jnp.float32)
         + jnp.dot(x_ref[...], wr_ref[...], preferred_element_type=jnp.float32)
         + b_ref[...])
    h = jnp.maximum(h, 0.0)
    hlo_ref[...] = h[:, :DH]
    hhi_ref[...] = h[:, DH:]


def _tc_layer1(s_lo, s_hi, cnt, x, wl_t, wl_b, wr, b):
    return pl.pallas_call(
        _layer1_body,
        grid=(N_NODES // _R,),
        in_specs=[
            pl.BlockSpec((_R, DH), lambda i: (i, 0)),
            pl.BlockSpec((_R, DH), lambda i: (i, 0)),
            pl.BlockSpec((1, _R, CNT_W), lambda i: (0, i, 0)),
            pl.BlockSpec((1, _R, CNT_W), lambda i: (1, i, 0)),
            pl.BlockSpec((_R, D), lambda i: (i, 0)),
            pl.BlockSpec((DH, D), lambda i: (0, 0)),
            pl.BlockSpec((DH, D), lambda i: (0, 0)),
            pl.BlockSpec((D, D), lambda i: (0, 0)),
            pl.BlockSpec((1, D), lambda i: (0, 0)),
        ],
        out_specs=[pl.BlockSpec((_R, DH), lambda i: (i, 0)),
                   pl.BlockSpec((_R, DH), lambda i: (i, 0))],
        out_shape=[jax.ShapeDtypeStruct((N_NODES, DH), jnp.float32),
                   jax.ShapeDtypeStruct((N_NODES, DH), jnp.float32)],
    )(s_lo, s_hi, cnt, cnt, x, wl_t, wl_b, wr, b)


def _head_body(slo_ref, shi_ref, cnta_ref, cntb_ref, hlo_ref, hhi_ref,
               flat_ref, wl2_ref, wr2_ref, bl2_ref, wf_ref, bf_ref, woh_ref,
               wof_ref, bo_ref, out_ref):
    f32 = jnp.float32
    woh = woh_ref[...]
    wlh = jnp.dot(wl2_ref[...], woh, preferred_element_type=f32)
    wrh = jnp.dot(wr2_ref[...], woh, preferred_element_type=f32)
    wff = jnp.dot(wf_ref[...], wof_ref[...], preferred_element_type=f32)
    bias = (jnp.dot(bl2_ref[...], woh, preferred_element_type=f32)
            + jnp.dot(bf_ref[...], wof_ref[...], preferred_element_type=f32)
            + bo_ref[...])
    inv = 1.0 / jnp.maximum(cnta_ref[0][:, 0:1] + cntb_ref[0][:, 0:1], 1.0)
    out_ref[...] = (
        jnp.dot(slo_ref[...] * inv, wlh[:DH], preferred_element_type=f32)
        + jnp.dot(shi_ref[...] * inv, wlh[DH:], preferred_element_type=f32)
        + jnp.dot(hlo_ref[...], wrh[:DH], preferred_element_type=f32)
        + jnp.dot(hhi_ref[...], wrh[DH:], preferred_element_type=f32)
        + jnp.dot(flat_ref[...], wff, preferred_element_type=f32)
        + bias)


def _tc_head(s_lo, s_hi, cnt, h_lo, h_hi, flat, wl2, wr2, bl2, wf, bf,
             wo_h, wo_f, bo, n_cls, d_flat, flat_hid):
    return pl.pallas_call(
        _head_body,
        grid=(N_NODES // _R,),
        in_specs=[
            pl.BlockSpec((_R, DH), lambda i: (i, 0)),
            pl.BlockSpec((_R, DH), lambda i: (i, 0)),
            pl.BlockSpec((1, _R, CNT_W), lambda i: (0, i, 0)),
            pl.BlockSpec((1, _R, CNT_W), lambda i: (1, i, 0)),
            pl.BlockSpec((_R, DH), lambda i: (i, 0)),
            pl.BlockSpec((_R, DH), lambda i: (i, 0)),
            pl.BlockSpec((_R, d_flat), lambda i: (i, 0)),
            pl.BlockSpec((D, D), lambda i: (0, 0)),
            pl.BlockSpec((D, D), lambda i: (0, 0)),
            pl.BlockSpec((1, D), lambda i: (0, 0)),
            pl.BlockSpec((d_flat, flat_hid), lambda i: (0, 0)),
            pl.BlockSpec((1, flat_hid), lambda i: (0, 0)),
            pl.BlockSpec((D, n_cls), lambda i: (0, 0)),
            pl.BlockSpec((flat_hid, n_cls), lambda i: (0, 0)),
            pl.BlockSpec((1, n_cls), lambda i: (0, 0)),
        ],
        out_specs=[pl.BlockSpec((_R, n_cls), lambda i: (i, 0))],
        out_shape=[jax.ShapeDtypeStruct((N_NODES, n_cls), jnp.float32)],
    )(s_lo, s_hi, cnt, cnt, h_lo, h_hi, flat, wl2, wr2, bl2, wf, bf, wo_h,
      wo_f, bo)[0]


def kernel(x, flat, edge_index_layer1, edge_index_layer2,
           W_l1, b_l1, W_r1, W_l2, b_l2, W_r2,
           W_flat, b_flat, W_out, b_out):
    src1, dst1, ch1 = _prep_edges(edge_index_layer1)
    src2, dst2, ch2 = _prep_edges(edge_index_layer2)
    zeros_feat = jnp.zeros((N_PAD, DH), jnp.float32)
    zeros_cnt = jnp.zeros((N_PAD, CNT_W), jnp.float32)
    ones_hbm = jnp.ones((EDGE_CHUNK, CNT_W), jnp.float32)

    dst1c, chc1 = _prep_cnt(edge_index_layer1)
    dst2c, chc2 = _prep_cnt(edge_index_layer2)
    assert chc1 == chc2
    counts = _make_counts(chc1)
    cnt1 = counts(dst1c, zeros_cnt, ones_hbm)[0]

    x_lo = x[:, :DH]
    x_hi = x[:, DH:]
    agg1 = _make_aggregate(ch1)
    s_lo, s_hi = agg1(x_lo, x_hi, src1, dst1, zeros_feat)

    h_lo, h_hi = _tc_layer1(s_lo, s_hi, cnt1, x, W_l1[:DH], W_l1[DH:], W_r1,
                            b_l1[None])

    cnt2 = counts(dst2c, zeros_cnt, ones_hbm)[0]

    agg2 = _make_aggregate(ch2)
    s2_lo, s2_hi = agg2(h_lo, h_hi, src2, dst2, zeros_feat)

    n_cls = b_out.shape[0]
    d_flat = flat.shape[1]
    flat_hid = b_flat.shape[0]
    return _tc_head(s2_lo, s2_hi, cnt2, h_lo, h_hi, flat,
                    W_l2, W_r2, b_l2[None], W_flat, b_flat[None],
                    W_out[:D], W_out[D:], b_out[None],
                    n_cls, d_flat, flat_hid)

# --- scband reference (transcript-rebuilt; emitter-appended) ---
"""Pipeline reference for scband-sage-40896678592676 (READ-ONLY COPY).

The authoritative reference and input builder live on the scoring server;
editing this copy changes nothing except your own understanding.
"""

import jax, jax.numpy as jnp
import numpy as np

N = 10000
E = 160000
D_IN = 256
D_HID = 256
D_OUT = 256
D_FLAT = 64
FLAT_HID = 64
N_CLS = 10


def setup_inputs(seed: int = 0) -> dict:
    key = jax.random.key(seed)
    ks = jax.random.split(key, 16)
    x = jax.random.normal(ks[0], (N, D_IN), dtype=jnp.float32)
    flat = jax.random.normal(ks[1], (N, D_FLAT), dtype=jnp.float32)
    edge_index_layer1 = jax.random.randint(ks[2], (2, E), 0, N, dtype=jnp.int32)
    edge_index_layer2 = jax.random.randint(ks[3], (2, E), 0, N, dtype=jnp.int32)
    s1 = 1.0 / np.sqrt(D_IN)
    s2 = 1.0 / np.sqrt(D_HID)
    sf = 1.0 / np.sqrt(D_FLAT)
    so = 1.0 / np.sqrt(D_OUT + FLAT_HID)
    W_l1 = jax.random.normal(ks[4], (D_IN, D_HID), dtype=jnp.float32) * s1
    b_l1 = jnp.zeros((D_HID,), dtype=jnp.float32)
    W_r1 = jax.random.normal(ks[5], (D_IN, D_HID), dtype=jnp.float32) * s1
    W_l2 = jax.random.normal(ks[6], (D_HID, D_OUT), dtype=jnp.float32) * s2
    b_l2 = jnp.zeros((D_OUT,), dtype=jnp.float32)
    W_r2 = jax.random.normal(ks[7], (D_HID, D_OUT), dtype=jnp.float32) * s2
    W_flat = jax.random.normal(ks[8], (D_FLAT, FLAT_HID), dtype=jnp.float32) * sf
    b_flat = jnp.zeros((FLAT_HID,), dtype=jnp.float32)
    W_out = jax.random.normal(ks[9], (D_OUT + FLAT_HID, N_CLS), dtype=jnp.float32) * so
    b_out = jnp.zeros((N_CLS,), dtype=jnp.float32)
    return {
        "x": x, "flat": flat,
        "edge_index_layer1": edge_index_layer1,
        "edge_index_layer2": edge_index_layer2,
        "W_l1": W_l1, "b_l1": b_l1, "W_r1": W_r1,
        "W_l2": W_l2, "b_l2": b_l2, "W_r2": W_r2,
        "W_flat": W_flat, "b_flat": b_flat,
        "W_out": W_out, "b_out": b_out,
    }


def _sage_conv(x_src, x_tgt, edge_index, W_l, b_l, W_r):
    # PyG SAGEConv (mean aggr): out = lin_l(mean_neighbors) + lin_r(x_target)
    src = edge_index[0]
    dst = edge_index[1]
    msgs = x_src[src]
    summed = jax.ops.segment_sum(msgs, dst, num_segments=x_tgt.shape[0])
    cnt = jax.ops.segment_sum(jnp.ones((src.shape[0],), dtype=jnp.float32), dst,
                              num_segments=x_tgt.shape[0])
    mean = summed / jnp.clip(cnt, 1.0)[:, None]
    return mean @ W_l + b_l + x_tgt @ W_r


def reference(x, flat, edge_index_layer1, edge_index_layer2,
              W_l1, b_l1, W_r1, W_l2, b_l2, W_r2,
              W_flat, b_flat, W_out, b_out):
    # layer 1 (size = (N, N), so x_target = x)
    h = _sage_conv(x, x, edge_index_layer1, W_l1, b_l1, W_r1)
    h = jax.nn.relu(h)  # dropout is identity in eval mode
    # layer 2
    h = _sage_conv(h, h, edge_index_layer2, W_l2, b_l2, W_r2)
    # flat_after path: project flat features and concat
    flat_p = flat @ W_flat + b_flat
    cat = jnp.concatenate([h, flat_p], axis=1)
    out = cat @ W_out + b_out
    return out

if __name__ == "__main__":
    import jax
    _d = setup_inputs()
    print(jax.jit(kernel)(*tuple(_d.values())))

</pallas_src>

<mosaic_0001>
#map = affine_map<(d0, d1) -> (0, 0, 0)>
#map1 = affine_map<(d0, d1) -> (0, 0)>
module attributes {stable_mosaic.version = 14 : i64} {
  func.func @cnt(%arg0: i32, %arg1: i32, %arg2: memref<32x40x128xi32, #tpu.memory_space<hbm>>, %arg3: memref<10008x128xf32, #tpu.memory_space<hbm>>, %arg4: memref<128x128xf32, #tpu.memory_space<hbm>>, %arg5: memref<2x10008x128xf32, #tpu.memory_space<hbm>>, %arg6: memref<40x128xi32, #tpu.memory_space<vmem>>, %arg7: memref<128x128xf32, #tpu.memory_space<vmem>>, %arg8: memref<10008x128xf32, #tpu.memory_space<vmem_shared>>) attributes {dimension_semantics = [#tpu.dimension_semantics<core_parallel>, #tpu.dimension_semantics<subcore_parallel>], iteration_bounds = array<i64: 2, 16>, scalar_prefetch = 0 : i64, scratch_operands = 3 : i64, tpu.core_type = #tpu.core_type<sc_vector_subcore>, window_params = [{transform_indices = #map}, {transform_indices = #map1}, {transform_indices = #map1}, {transform_indices = #map}]} {
    %eq3A = arith.constant 0 : i32
    %eq3A_0 = arith.cmpi eq, %arg1, %eq3A : i32
    %convert_element_type3A = arith.extui %eq3A_0 : i1 to i32
    %cond3A = arith.constant 0 : i32
    %cond3A_1 = arith.cmpi ne, %convert_element_type3A, %cond3A : i32
    scf.if %cond3A_1 {
      "tpu.region"() ({
        %run_scoped3A = tpu.sem_alloc : memref<!tpu.dma_semaphore, #tpu.memory_space<semaphore_mem>>
        tpu.enqueue_dma source(%arg3 : memref<10008x128xf32, #tpu.memory_space<hbm>>) target(%arg8 : memref<10008x128xf32, #tpu.memory_space<vmem_shared>>) target_semaphore(%run_scoped3A : memref<!tpu.dma_semaphore, #tpu.memory_space<semaphore_mem>>)
        tpu.wait_dma2 semaphore(%run_scoped3A : memref<!tpu.dma_semaphore, #tpu.memory_space<semaphore_mem>>) src(%arg3 : memref<10008x128xf32, #tpu.memory_space<hbm>>) dst(%arg8 : memref<10008x128xf32, #tpu.memory_space<vmem_shared>>)
        tpu.yield
      }) : () -> ()
    } else {
    }
    %mul3A = arith.constant 16 : i32
    %mul3A_2 = arith.muli %arg0, %mul3A : i32
    %add3A = arith.addi %mul3A_2, %arg1 : i32
    "tpu.region"() ({
      %run_scoped3A = tpu.sem_alloc : memref<!tpu.dma_semaphore, #tpu.memory_space<semaphore_mem>>
      %dma_start3A = arith.constant 0 : i32
      %dma_start3A_13 = arith.constant 0 : i32
      %dma_start3A_14 = tpu.memref_slice %arg2[%add3A, %dma_start3A, %dma_start3A_13] : memref<32x40x128xi32, #tpu.memory_space<hbm>> -> memref<1x40x128xi32, #tpu.memory_space<hbm>>
      %dma_start3A_15 = tpu.memref_squeeze %dma_start3A_14 : memref<1x40x128xi32, #tpu.memory_space<hbm>> -> memref<40x128xi32, #tpu.memory_space<hbm>>
      %dma_start3A_16 = arith.constant 0 : i32
      %dma_start3A_17 = arith.constant 0 : i32
      %dma_start3A_18 = tpu.memref_slice %arg2[%add3A, %dma_start3A_16, %dma_start3A_17] : memref<32x40x128xi32, #tpu.memory_space<hbm>> -> memref<1x40x128xi32, #tpu.memory_space<hbm>>
      %dma_start3A_19 = tpu.memref_squeeze %dma_start3A_18 : memref<1x40x128xi32, #tpu.memory_space<hbm>> -> memref<40x128xi32, #tpu.memory_space<hbm>>
      tpu.enqueue_dma source(%dma_start3A_19 : memref<40x128xi32, #tpu.memory_space<hbm>>) target(%arg6 : memref<40x128xi32, #tpu.memory_space<vmem>>) target_semaphore(%run_scoped3A : memref<!tpu.dma_semaphore, #tpu.memory_space<semaphore_mem>>)
      %dma_wait3A = arith.constant 0 : i32
      %dma_wait3A_20 = arith.constant 0 : i32
      %dma_wait3A_21 = tpu.memref_slice %arg2[%add3A, %dma_wait3A, %dma_wait3A_20] : memref<32x40x128xi32, #tpu.memory_space<hbm>> -> memref<1x40x128xi32, #tpu.memory_space<hbm>>
      %dma_wait3A_22 = tpu.memref_squeeze %dma_wait3A_21 : memref<1x40x128xi32, #tpu.memory_space<hbm>> -> memref<40x128xi32, #tpu.memory_space<hbm>>
      %dma_wait3A_23 = arith.constant 0 : i32
      %dma_wait3A_24 = arith.constant 0 : i32
      %dma_wait3A_25 = tpu.memref_slice %arg2[%add3A, %dma_wait3A_23, %dma_wait3A_24] : memref<32x40x128xi32, #tpu.memory_space<hbm>> -> memref<1x40x128xi32, #tpu.memory_space<hbm>>
      %dma_wait3A_26 = tpu.memref_squeeze %dma_wait3A_25 : memref<1x40x128xi32, #tpu.memory_space<hbm>> -> memref<40x128xi32, #tpu.memory_space<hbm>>
      tpu.wait_dma2 semaphore(%run_scoped3A : memref<!tpu.dma_semaphore, #tpu.memory_space<semaphore_mem>>) src(%dma_wait3A_26 : memref<40x128xi32, #tpu.memory_space<hbm>>) dst(%arg6 : memref<40x128xi32, #tpu.memory_space<vmem>>)
      tpu.yield
    }) : () -> ()
    "tpu.region"() ({
      %run_scoped3A = tpu.sem_alloc : memref<!tpu.dma_semaphore, #tpu.memory_space<semaphore_mem>>
      tpu.enqueue_dma source(%arg4 : memref<128x128xf32, #tpu.memory_space<hbm>>) target(%arg7 : memref<128x128xf32, #tpu.memory_space<vmem>>) target_semaphore(%run_scoped3A : memref<!tpu.dma_semaphore, #tpu.memory_space<semaphore_mem>>)
      tpu.wait_dma2 semaphore(%run_scoped3A : memref<!tpu.dma_semaphore, #tpu.memory_space<semaphore_mem>>) src(%arg4 : memref<128x128xf32, #tpu.memory_space<hbm>>) dst(%arg7 : memref<128x128xf32, #tpu.memory_space<vmem>>)
      tpu.yield
    }) : () -> ()
    %barrier3A = arith.constant 0 : index
    tpu.barrier barrier_id(%barrier3A)
    %scan3A = arith.constant 0 : i32
    %scan3A_3 = arith.constant 40 : i32
    %scan3A_4 = arith.addi %scan3A, %scan3A_3 : i32
    %scan3A_5 = arith.constant 1 : i32
    scf.for %scan3A_13 = %scan3A to %scan3A_4 step %scan3A_5  : i32 {
      %mul3A_14 = arith.constant 1 : i32
      %mul3A_15 = arith.muli %scan3A_13, %mul3A_14 : i32
      %add3A_16 = arith.constant 0 : i32
      %add3A_17 = arith.addi %add3A_16, %mul3A_15 : i32
      "tpu.region"() ({
        %run_scoped3A = tpu.sem_alloc : memref<!tpu.dma_semaphore, #tpu.memory_space<semaphore_mem>>
        %dma_start3A = arith.constant 0 : i32
        %dma_start3A_18 = tpu.memref_slice %arg6[%add3A_17, %dma_start3A] : memref<40x128xi32, #tpu.memory_space<vmem>> -> memref<1x128xi32, #tpu.memory_space<vmem>>
        %dma_start3A_19 = tpu.memref_squeeze %dma_start3A_18 : memref<1x128xi32, #tpu.memory_space<vmem>> -> memref<128xi32, #tpu.memory_space<vmem>>
        %dma_start3A_20 = arith.constant 0 : i32
        %dma_start3A_21 = arith.constant 0 : i32
        %dma_start3A_22 = tpu.memref_slice %arg8[%dma_start3A_20, %dma_start3A_21] : memref<10008x128xf32, #tpu.memory_space<vmem_shared>> -> memref<10008x128xf32, #tpu.memory_space<vmem_shared>>
        tpu.enqueue_indirect_dma source(%arg7 : memref<128x128xf32, #tpu.memory_space<vmem>>) target(%dma_start3A_22 : memref<10008x128xf32, #tpu.memory_space<vmem_shared>>) offsets(%dma_start3A_19 : memref<128xi32, #tpu.memory_space<vmem>>) semaphore(%run_scoped3A : memref<!tpu.dma_semaphore, #tpu.memory_space<semaphore_mem>>) {add = true}
        %dma_wait3A = arith.constant 0 : i32
        %dma_wait3A_23 = tpu.memref_slice %arg6[%add3A_17, %dma_wait3A] : memref<40x128xi32, #tpu.memory_space<vmem>> -> memref<1x128xi32, #tpu.memory_space<vmem>>
        %dma_wait3A_24 = tpu.memref_squeeze %dma_wait3A_23 : memref<1x128xi32, #tpu.memory_space<vmem>> -> memref<128xi32, #tpu.memory_space<vmem>>
        %dma_wait3A_25 = arith.constant 0 : i32
        %dma_wait3A_26 = arith.constant 0 : i32
        %dma_wait3A_27 = tpu.memref_slice %arg8[%dma_wait3A_25, %dma_wait3A_26] : memref<10008x128xf32, #tpu.memory_space<vmem_shared>> -> memref<10008x128xf32, #tpu.memory_space<vmem_shared>>
        tpu.wait_indirect_dma semaphore(%run_scoped3A : memref<!tpu.dma_semaphore, #tpu.memory_space<semaphore_mem>>) src(%arg7 : memref<128x128xf32, #tpu.memory_space<vmem>>) dst(%dma_wait3A_27 : memref<10008x128xf32, #tpu.memory_space<vmem_shared>>)
        tpu.yield
      }) : () -> ()
    }
    %scan3A_6 = arith.constant 40 : i32
    %barrier3A_7 = arith.constant 0 : index
    tpu.barrier barrier_id(%barrier3A_7)
    %eq3A_8 = arith.constant 0 : i32
    %eq3A_9 = arith.cmpi eq, %arg1, %eq3A_8 : i32
    %convert_element_type3A_10 = arith.extui %eq3A_9 : i1 to i32
    %cond3A_11 = arith.constant 0 : i32
    %cond3A_12 = arith.cmpi ne, %convert_element_type3A_10, %cond3A_11 : i32
    scf.if %cond3A_12 {
      "tpu.region"() ({
        %run_scoped3A = tpu.sem_alloc : memref<!tpu.dma_semaphore, #tpu.memory_space<semaphore_mem>>
        %dma_start3A = arith.constant 0 : i32
        %dma_start3A_13 = arith.constant 0 : i32
        %dma_start3A_14 = tpu.memref_slice %arg5[%arg0, %dma_start3A, %dma_start3A_13] : memref<2x10008x128xf32, #tpu.memory_space<hbm>> -> memref<1x10008x128xf32, #tpu.memory_space<hbm>>
        %dma_start3A_15 = tpu.memref_squeeze %dma_start3A_14 : memref<1x10008x128xf32, #tpu.memory_space<hbm>> -> memref<10008x128xf32, #tpu.memory_space<hbm>>
        tpu.enqueue_dma source(%arg8 : memref<10008x128xf32, #tpu.memory_space<vmem_shared>>) target(%dma_start3A_15 : memref<10008x128xf32, #tpu.memory_space<hbm>>) target_semaphore(%run_scoped3A : memref<!tpu.dma_semaphore, #tpu.memory_space<semaphore_mem>>)
        %dma_wait3A = arith.constant 0 : i32
        %dma_wait3A_16 = arith.constant 0 : i32
        %dma_wait3A_17 = tpu.memref_slice %arg5[%arg0, %dma_wait3A, %dma_wait3A_16] : memref<2x10008x128xf32, #tpu.memory_space<hbm>> -> memref<1x10008x128xf32, #tpu.memory_space<hbm>>
        %dma_wait3A_18 = tpu.memref_squeeze %dma_wait3A_17 : memref<1x10008x128xf32, #tpu.memory_space<hbm>> -> memref<10008x128xf32, #tpu.memory_space<hbm>>
        tpu.wait_dma2 semaphore(%run_scoped3A : memref<!tpu.dma_semaphore, #tpu.memory_space<semaphore_mem>>) src(%arg8 : memref<10008x128xf32, #tpu.memory_space<vmem_shared>>) dst(%dma_wait3A_18 : memref<10008x128xf32, #tpu.memory_space<hbm>>)
        tpu.yield
      }) : () -> ()
    } else {
    }
    return
  }
}

#map = affine_map<(d0, d1) -> (0, 0)>
#map1 = affine_map<(d0, d1) -> (0, 0, 0)>
module attributes {stable_mosaic.version = 14 : i64} {
  func.func @agg(%arg0: i32, %arg1: i32, %arg2: memref<10000x128xf32, #tpu.memory_space<hbm>>, %arg3: memref<10000x128xf32, #tpu.memory_space<hbm>>, %arg4: memref<16x79x128xi32, #tpu.memory_space<hbm>>, %arg5: memref<16x79x128xi32, #tpu.memory_space<hbm>>, %arg6: memref<10008x128xf32, #tpu.memory_space<hbm>>, %arg7: memref<10008x128xf32, #tpu.memory_space<hbm>>, %arg8: memref<10008x128xf32, #tpu.memory_space<hbm>>, %arg9: memref<79x128xi32, #tpu.memory_space<vmem>>, %arg10: memref<79x128xi32, #tpu.memory_space<vmem>>, %arg11: memref<128x128xf32, #tpu.memory_space<vmem>>, %arg12: memref<10008x128xf32, #tpu.memory_space<vmem_shared>>) attributes {dimension_semantics = [#tpu.dimension_semantics<core_parallel>, #tpu.dimension_semantics<subcore_parallel>], iteration_bounds = array<i64: 2, 16>, scalar_prefetch = 0 : i64, scratch_operands = 4 : i64, tpu.core_type = #tpu.core_type<sc_vector_subcore>, window_params = [{transform_indices = #map}, {transform_indices = #map}, {transform_indices = #map1}, {transform_indices = #map1}, {transform_indices = #map}, {transform_indices = #map}, {transform_indices = #map}]} {
    %eq3A = arith.constant 0 : i32
    %eq3A_0 = arith.cmpi eq, %arg1, %eq3A : i32
    %convert_element_type3A = arith.extui %eq3A_0 : i1 to i32
    %cond3A = arith.constant 0 : i32
    %cond3A_1 = arith.cmpi ne, %convert_element_type3A, %cond3A : i32
    scf.if %cond3A_1 {
      "tpu.region"() ({
        %run_scoped3A = tpu.sem_alloc : memref<!tpu.dma_semaphore, #tpu.memory_space<semaphore_mem>>
        tpu.enqueue_dma source(%arg6 : memref<10008x128xf32, #tpu.memory_space<hbm>>) target(%arg12 : memref<10008x128xf32, #tpu.memory_space<vmem_shared>>) target_semaphore(%run_scoped3A : memref<!tpu.dma_semaphore, #tpu.memory_space<semaphore_mem>>)
        tpu.wait_dma2 semaphore(%run_scoped3A : memref<!tpu.dma_semaphore, #tpu.memory_space<semaphore_mem>>) src(%arg6 : memref<10008x128xf32, #tpu.memory_space<hbm>>) dst(%arg12 : memref<10008x128xf32, #tpu.memory_space<vmem_shared>>)
        tpu.yield
      }) : () -> ()
    } else {
    }
    "tpu.region"() ({
      %run_scoped3A = tpu.sem_alloc : memref<!tpu.dma_semaphore, #tpu.memory_space<semaphore_mem>>
      %dma_start3A = arith.constant 0 : i32
      %dma_start3A_22 = arith.constant 0 : i32
      %dma_start3A_23 = tpu.memref_slice %arg4[%arg1, %dma_start3A, %dma_start3A_22] : memref<16x79x128xi32, #tpu.memory_space<hbm>> -> memref<1x79x128xi32, #tpu.memory_space<hbm>>
      %dma_start3A_24 = tpu.memref_squeeze %dma_start3A_23 : memref<1x79x128xi32, #tpu.memory_space<hbm>> -> memref<79x128xi32, #tpu.memory_space<hbm>>
      %dma_start3A_25 = arith.constant 0 : i32
      %dma_start3A_26 = arith.constant 0 : i32
      %dma_start3A_27 = tpu.memref_slice %arg4[%arg1, %dma_start3A_25, %dma_start3A_26] : memref<16x79x128xi32, #tpu.memory_space<hbm>> -> memref<1x79x128xi32, #tpu.memory_space<hbm>>
      %dma_start3A_28 = tpu.memref_squeeze %dma_start3A_27 : memref<1x79x128xi32, #tpu.memory_space<hbm>> -> memref<79x128xi32, #tpu.memory_space<hbm>>
      tpu.enqueue_dma source(%dma_start3A_28 : memref<79x128xi32, #tpu.memory_space<hbm>>) target(%arg9 : memref<79x128xi32, #tpu.memory_space<vmem>>) target_semaphore(%run_scoped3A : memref<!tpu.dma_semaphore, #tpu.memory_space<semaphore_mem>>)
      %dma_wait3A = arith.constant 0 : i32
      %dma_wait3A_29 = arith.constant 0 : i32
      %dma_wait3A_30 = tpu.memref_slice %arg4[%arg1, %dma_wait3A, %dma_wait3A_29] : memref<16x79x128xi32, #tpu.memory_space<hbm>> -> memref<1x79x128xi32, #tpu.memory_space<hbm>>
      %dma_wait3A_31 = tpu.memref_squeeze %dma_wait3A_30 : memref<1x79x128xi32, #tpu.memory_space<hbm>> -> memref<79x128xi32, #tpu.memory_space<hbm>>
      %dma_wait3A_32 = arith.constant 0 : i32
      %dma_wait3A_33 = arith.constant 0 : i32
      %dma_wait3A_34 = tpu.memref_slice %arg4[%arg1, %dma_wait3A_32, %dma_wait3A_33] : memref<16x79x128xi32, #tpu.memory_space<hbm>> -> memref<1x79x128xi32, #tpu.memory_space<hbm>>
      %dma_wait3A_35 = tpu.memref_squeeze %dma_wait3A_34 : memref<1x79x128xi32, #tpu.memory_space<hbm>> -> memref<79x128xi32, #tpu.memory_space<hbm>>
      tpu.wait_dma2 semaphore(%run_scoped3A : memref<!tpu.dma_semaphore, #tpu.memory_space<semaphore_mem>>) src(%dma_wait3A_35 : memref<79x128xi32, #tpu.memory_space<hbm>>) dst(%arg9 : memref<79x128xi32, #tpu.memory_space<vmem>>)
      tpu.yield
    }) : () -> ()
    "tpu.region"() ({
      %run_scoped3A = tpu.sem_alloc : memref<!tpu.dma_semaphore, #tpu.memory_space<semaphore_mem>>
      %dma_start3A = arith.constant 0 : i32
      %dma_start3A_22 = arith.constant 0 : i32
      %dma_start3A_23 = tpu.memref_slice %arg5[%arg1, %dma_start3A, %dma_start3A_22] : memref<16x79x128xi32, #tpu.memory_space<hbm>> -> memref<1x79x128xi32, #tpu.memory_space<hbm>>
      %dma_start3A_24 = tpu.memref_squeeze %dma_start3A_23 : memref<1x79x128xi32, #tpu.memory_space<hbm>> -> memref<79x128xi32, #tpu.memory_space<hbm>>
      %dma_start3A_25 = arith.constant 0 : i32
      %dma_start3A_26 = arith.constant 0 : i32
      %dma_start3A_27 = tpu.memref_slice %arg5[%arg1, %dma_start3A_25, %dma_start3A_26] : memref<16x79x128xi32, #tpu.memory_space<hbm>> -> memref<1x79x128xi32, #tpu.memory_space<hbm>>
      %dma_start3A_28 = tpu.memref_squeeze %dma_start3A_27 : memref<1x79x128xi32, #tpu.memory_space<hbm>> -> memref<79x128xi32, #tpu.memory_space<hbm>>
      tpu.enqueue_dma source(%dma_start3A_28 : memref<79x128xi32, #tpu.memory_space<hbm>>) target(%arg10 : memref<79x128xi32, #tpu.memory_space<vmem>>) target_semaphore(%run_scoped3A : memref<!tpu.dma_semaphore, #tpu.memory_space<semaphore_mem>>)
      %dma_wait3A = arith.constant 0 : i32
      %dma_wait3A_29 = arith.constant 0 : i32
      %dma_wait3A_30 = tpu.memref_slice %arg5[%arg1, %dma_wait3A, %dma_wait3A_29] : memref<16x79x128xi32, #tpu.memory_space<hbm>> -> memref<1x79x128xi32, #tpu.memory_space<hbm>>
      %dma_wait3A_31 = tpu.memref_squeeze %dma_wait3A_30 : memref<1x79x128xi32, #tpu.memory_space<hbm>> -> memref<79x128xi32, #tpu.memory_space<hbm>>
      %dma_wait3A_32 = arith.constant 0 : i32
      %dma_wait3A_33 = arith.constant 0 : i32
      %dma_wait3A_34 = tpu.memref_slice %arg5[%arg1, %dma_wait3A_32, %dma_wait3A_33] : memref<16x79x128xi32, #tpu.memory_space<hbm>> -> memref<1x79x128xi32, #tpu.memory_space<hbm>>
      %dma_wait3A_35 = tpu.memref_squeeze %dma_wait3A_34 : memref<1x79x128xi32, #tpu.memory_space<hbm>> -> memref<79x128xi32, #tpu.memory_space<hbm>>
      tpu.wait_dma2 semaphore(%run_scoped3A : memref<!tpu.dma_semaphore, #tpu.memory_space<semaphore_mem>>) src(%dma_wait3A_35 : memref<79x128xi32, #tpu.memory_space<hbm>>) dst(%arg10 : memref<79x128xi32, #tpu.memory_space<vmem>>)
      tpu.yield
    }) : () -> ()
    %barrier3A = arith.constant 0 : index
    tpu.barrier barrier_id(%barrier3A)
    %scan3A = arith.constant 0 : i32
    %scan3A_2 = arith.constant 79 : i32
    %scan3A_3 = arith.addi %scan3A, %scan3A_2 : i32
    %scan3A_4 = arith.constant 1 : i32
    scf.for %scan3A_22 = %scan3A to %scan3A_3 step %scan3A_4  : i32 {
      %mul3A = arith.constant 1 : i32
      %mul3A_23 = arith.muli %scan3A_22, %mul3A : i32
      %add3A = arith.constant 0 : i32
      %add3A_24 = arith.addi %add3A, %mul3A_23 : i32
      %eq3A_25 = arith.constant 0 : i32
      %eq3A_26 = arith.cmpi eq, %arg0, %eq3A_25 : i32
      %convert_element_type3A_27 = arith.extui %eq3A_26 : i1 to i32
      %cond3A_28 = arith.constant 0 : i32
      %cond3A_29 = arith.cmpi ne, %convert_element_type3A_27, %cond3A_28 : i32
      scf.if %cond3A_29 {
        "tpu.region"() ({
          %run_scoped3A = tpu.sem_alloc : memref<!tpu.dma_semaphore, #tpu.memory_space<semaphore_mem>>
          %dma_start3A = arith.constant 0 : i32
          %dma_start3A_35 = tpu.memref_slice %arg9[%add3A_24, %dma_start3A] : memref<79x128xi32, #tpu.memory_space<vmem>> -> memref<1x128xi32, #tpu.memory_space<vmem>>
          %dma_start3A_36 = tpu.memref_squeeze %dma_start3A_35 : memref<1x128xi32, #tpu.memory_space<vmem>> -> memref<128xi32, #tpu.memory_space<vmem>>
          %dma_start3A_37 = arith.constant 0 : i32
          %dma_start3A_38 = arith.constant 0 : i32
          %dma_start3A_39 = tpu.memref_slice %arg2[%dma_start3A_37, %dma_start3A_38] : memref<10000x128xf32, #tpu.memory_space<hbm>> -> memref<10000x128xf32, #tpu.memory_space<hbm>>
          tpu.enqueue_indirect_dma source(%dma_start3A_39 : memref<10000x128xf32, #tpu.memory_space<hbm>>) target(%arg11 : memref<128x128xf32, #tpu.memory_space<vmem>>) offsets(%dma_start3A_36 : memref<128xi32, #tpu.memory_space<vmem>>) semaphore(%run_scoped3A : memref<!tpu.dma_semaphore, #tpu.memory_space<semaphore_mem>>)
          %dma_wait3A = arith.constant 0 : i32
          %dma_wait3A_40 = tpu.memref_slice %arg9[%add3A_24, %dma_wait3A] : memref<79x128xi32, #tpu.memory_space<vmem>> -> memref<1x128xi32, #tpu.memory_space<vmem>>
          %dma_wait3A_41 = tpu.memref_squeeze %dma_wait3A_40 : memref<1x128xi32, #tpu.memory_space<vmem>> -> memref<128xi32, #tpu.memory_space<vmem>>
          %dma_wait3A_42 = arith.constant 0 : i32
          %dma_wait3A_43 = arith.constant 0 : i32
          %dma_wait3A_44 = tpu.memref_slice %arg2[%dma_wait3A_42, %dma_wait3A_43] : memref<10000x128xf32, #tpu.memory_space<hbm>> -> memref<10000x128xf32, #tpu.memory_space<hbm>>
          tpu.wait_indirect_dma semaphore(%run_scoped3A : memref<!tpu.dma_semaphore, #tpu.memory_space<semaphore_mem>>) src(%dma_wait3A_44 : memref<10000x128xf32, #tpu.memory_space<hbm>>) dst(%arg11 : memref<128x128xf32, #tpu.memory_space<vmem>>)
          tpu.yield
        }) : () -> ()
      } else {
      }
      %eq3A_30 = arith.constant 1 : i32
      %eq3A_31 = arith.cmpi eq, %arg0, %eq3A_30 : i32
      %convert_element_type3A_32 = arith.extui %eq3A_31 : i1 to i32
      %cond3A_33 = arith.constant 0 : i32
      %cond3A_34 = arith.cmpi ne, %convert_element_type3A_32, %cond3A_33 : i32
      scf.if %cond3A_34 {
        "tpu.region"() ({
          %run_scoped3A = tpu.sem_alloc : memref<!tpu.dma_semaphore, #tpu.memory_space<semaphore_mem>>
          %dma_start3A = arith.constant 0 : i32
          %dma_start3A_35 = tpu.memref_slice %arg9[%add3A_24, %dma_start3A] : memref<79x128xi32, #tpu.memory_space<vmem>> -> memref<1x128xi32, #tpu.memory_space<vmem>>
          %dma_start3A_36 = tpu.memref_squeeze %dma_start3A_35 : memref<1x128xi32, #tpu.memory_space<vmem>> -> memref<128xi32, #tpu.memory_space<vmem>>
          %dma_start3A_37 = arith.constant 0 : i32
          %dma_start3A_38 = arith.constant 0 : i32
          %dma_start3A_39 = tpu.memref_slice %arg3[%dma_start3A_37, %dma_start3A_38] : memref<10000x128xf32, #tpu.memory_space<hbm>> -> memref<10000x128xf32, #tpu.memory_space<hbm>>
          tpu.enqueue_indirect_dma source(%dma_start3A_39 : memref<10000x128xf32, #tpu.memory_space<hbm>>) target(%arg11 : memref<128x128xf32, #tpu.memory_space<vmem>>) offsets(%dma_start3A_36 : memref<128xi32, #tpu.memory_space<vmem>>) semaphore(%run_scoped3A : memref<!tpu.dma_semaphore, #tpu.memory_space<semaphore_mem>>)
          %dma_wait3A = arith.constant 0 : i32
          %dma_wait3A_40 = tpu.memref_slice %arg9[%add3A_24, %dma_wait3A] : memref<79x128xi32, #tpu.memory_space<vmem>> -> memref<1x128xi32, #tpu.memory_space<vmem>>
          %dma_wait3A_41 = tpu.memref_squeeze %dma_wait3A_40 : memref<1x128xi32, #tpu.memory_space<vmem>> -> memref<128xi32, #tpu.memory_space<vmem>>
          %dma_wait3A_42 = arith.constant 0 : i32
          %dma_wait3A_43 = arith.constant 0 : i32
          %dma_wait3A_44 = tpu.memref_slice %arg3[%dma_wait3A_42, %dma_wait3A_43] : memref<10000x128xf32, #tpu.memory_space<hbm>> -> memref<10000x128xf32, #tpu.memory_space<hbm>>
          tpu.wait_indirect_dma semaphore(%run_scoped3A : memref<!tpu.dma_semaphore, #tpu.memory_space<semaphore_mem>>) src(%dma_wait3A_44 : memref<10000x128xf32, #tpu.memory_space<hbm>>) dst(%arg11 : memref<128x128xf32, #tpu.memory_space<vmem>>)
          tpu.yield
        }) : () -> ()
      } else {
      }
      "tpu.region"() ({
        %run_scoped3A = tpu.sem_alloc : memref<!tpu.dma_semaphore, #tpu.memory_space<semaphore_mem>>
        %dma_start3A = arith.constant 0 : i32
        %dma_start3A_35 = tpu.memref_slice %arg10[%add3A_24, %dma_start3A] : memref<79x128xi32, #tpu.memory_space<vmem>> -> memref<1x128xi32, #tpu.memory_space<vmem>>
        %dma_start3A_36 = tpu.memref_squeeze %dma_start3A_35 : memref<1x128xi32, #tpu.memory_space<vmem>> -> memref<128xi32, #tpu.memory_space<vmem>>
        %dma_start3A_37 = arith.constant 0 : i32
        %dma_start3A_38 = arith.constant 0 : i32
        %dma_start3A_39 = tpu.memref_slice %arg12[%dma_start3A_37, %dma_start3A_38] : memref<10008x128xf32, #tpu.memory_space<vmem_shared>> -> memref<10008x128xf32, #tpu.memory_space<vmem_shared>>
        tpu.enqueue_indirect_dma source(%arg11 : memref<128x128xf32, #tpu.memory_space<vmem>>) target(%dma_start3A_39 : memref<10008x128xf32, #tpu.memory_space<vmem_shared>>) offsets(%dma_start3A_36 : memref<128xi32, #tpu.memory_space<vmem>>) semaphore(%run_scoped3A : memref<!tpu.dma_semaphore, #tpu.memory_space<semaphore_mem>>) {add = true}
        %dma_wait3A = arith.constant 0 : i32
        %dma_wait3A_40 = tpu.memref_slice %arg10[%add3A_24, %dma_wait3A] : memref<79x128xi32, #tpu.memory_space<vmem>> -> memref<1x128xi32, #tpu.memory_space<vmem>>
        %dma_wait3A_41 = tpu.memref_squeeze %dma_wait3A_40 : memref<1x128xi32, #tpu.memory_space<vmem>> -> memref<128xi32, #tpu.memory_space<vmem>>
        %dma_wait3A_42 = arith.constant 0 : i32
        %dma_wait3A_43 = arith.constant 0 : i32
        %dma_wait3A_44 = tpu.memref_slice %arg12[%dma_wait3A_42, %dma_wait3A_43] : memref<10008x128xf32, #tpu.memory_space<vmem_shared>> -> memref<10008x128xf32, #tpu.memory_space<vmem_shared>>
        tpu.wait_indirect_dma semaphore(%run_scoped3A : memref<!tpu.dma_semaphore, #tpu.memory_space<semaphore_mem>>) src(%arg11 : memref<128x128xf32, #tpu.memory_space<vmem>>) dst(%dma_wait3A_44 : memref<10008x128xf32, #tpu.memory_space<vmem_shared>>)
        tpu.yield
      }) : () -> ()
    }
    %scan3A_5 = arith.constant 79 : i32
    %barrier3A_6 = arith.constant 0 : index
    tpu.barrier barrier_id(%barrier3A_6)
    %eq3A_7 = arith.constant 0 : i32
    %eq3A_8 = arith.cmpi eq, %arg1, %eq3A_7 : i32
    %eq3A_9 = arith.constant 0 : i32
    %eq3A_10 = arith.cmpi eq, %arg0, %eq3A_9 : i32
    %and3A = arith.andi %eq3A_8, %eq3A_10 : i1
    %convert_element_type3A_11 = arith.extui %and3A : i1 to i32
    %cond3A_12 = arith.constant 0 : i32
    %cond3A_13 = arith.cmpi ne, %convert_element_type3A_11, %cond3A_12 : i32
    scf.if %cond3A_13 {
      "tpu.region"() ({
        %run_scoped3A = tpu.sem_alloc : memref<!tpu.dma_semaphore, #tpu.memory_space<semaphore_mem>>
        tpu.enqueue_dma source(%arg12 : memref<10008x128xf32, #tpu.memory_space<vmem_shared>>) target(%arg7 : memref<10008x128xf32, #tpu.memory_space<hbm>>) target_semaphore(%run_scoped3A : memref<!tpu.dma_semaphore, #tpu.memory_space<semaphore_mem>>)
        tpu.wait_dma2 semaphore(%run_scoped3A : memref<!tpu.dma_semaphore, #tpu.memory_space<semaphore_mem>>) src(%arg12 : memref<10008x128xf32, #tpu.memory_space<vmem_shared>>) dst(%arg7 : memref<10008x128xf32, #tpu.memory_space<hbm>>)
        tpu.yield
      }) : () -> ()
    } else {
    }
    %eq3A_14 = arith.constant 0 : i32
    %eq3A_15 = arith.cmpi eq, %arg1, %eq3A_14 : i32
    %eq3A_16 = arith.constant 1 : i32
    %eq3A_17 = arith.cmpi eq, %arg0, %eq3A_16 : i32
    %and3A_18 = arith.andi %eq3A_15, %eq3A_17 : i1
    %convert_element_type3A_19 = arith.extui %and3A_18 : i1 to i32
    %cond3A_20 = arith.constant 0 : i32
    %cond3A_21 = arith.cmpi ne, %convert_element_type3A_19, %cond3A_20 : i32
    scf.if %cond3A_21 {
      "tpu.region"() ({
        %run_scoped3A = tpu.sem_alloc : memref<!tpu.dma_semaphore, #tpu.memory_space<semaphore_mem>>
        tpu.enqueue_dma source(%arg12 : memref<10008x128xf32, #tpu.memory_space<vmem_shared>>) target(%arg8 : memref<10008x128xf32, #tpu.memory_space<hbm>>) target_semaphore(%run_scoped3A : memref<!tpu.dma_semaphore, #tpu.memory_space<semaphore_mem>>)
        tpu.wait_dma2 semaphore(%run_scoped3A : memref<!tpu.dma_semaphore, #tpu.memory_space<semaphore_mem>>) src(%arg12 : memref<10008x128xf32, #tpu.memory_space<vmem_shared>>) dst(%arg8 : memref<10008x128xf32, #tpu.memory_space<hbm>>)
        tpu.yield
      }) : () -> ()
    } else {
    }
    return
  }
}

#map = affine_map<(d0, d1) -> (0, 0)>
#map1 = affine_map<(d0, d1) -> (0, 0, 0)>
module attributes {stable_mosaic.version = 14 : i64} {
  func.func @agg(%arg0: i32, %arg1: i32, %arg2: memref<10000x128xf32, #tpu.memory_space<hbm>>, %arg3: memref<10000x128xf32, #tpu.memory_space<hbm>>, %arg4: memref<16x79x128xi32, #tpu.memory_space<hbm>>, %arg5: memref<16x79x128xi32, #tpu.memory_space<hbm>>, %arg6: memref<10008x128xf32, #tpu.memory_space<hbm>>, %arg7: memref<10008x128xf32, #tpu.memory_space<hbm>>, %arg8: memref<10008x128xf32, #tpu.memory_space<hbm>>, %arg9: memref<79x128xi32, #tpu.memory_space<vmem>>, %arg10: memref<79x128xi32, #tpu.memory_space<vmem>>, %arg11: memref<128x128xf32, #tpu.memory_space<vmem>>, %arg12: memref<10008x128xf32, #tpu.memory_space<vmem_shared>>) attributes {dimension_semantics = [#tpu.dimension_semantics<core_parallel>, #tpu.dimension_semantics<subcore_parallel>], iteration_bounds = array<i64: 2, 16>, scalar_prefetch = 0 : i64, scratch_operands = 4 : i64, tpu.core_type = #tpu.core_type<sc_vector_subcore>, window_params = [{transform_indices = #map}, {transform_indices = #map}, {transform_indices = #map1}, {transform_indices = #map1}, {transform_indices = #map}, {transform_indices = #map}, {transform_indices = #map}]} {
    %eq3A = arith.constant 0 : i32
    %eq3A_0 = arith.cmpi eq, %arg1, %eq3A : i32
    %convert_element_type3A = arith.extui %eq3A_0 : i1 to i32
    %cond3A = arith.constant 0 : i32
    %cond3A_1 = arith.cmpi ne, %convert_element_type3A, %cond3A : i32
    scf.if %cond3A_1 {
      "tpu.region"() ({
        %run_scoped3A = tpu.sem_alloc : memref<!tpu.dma_semaphore, #tpu.memory_space<semaphore_mem>>
        tpu.enqueue_dma source(%arg6 : memref<10008x128xf32, #tpu.memory_space<hbm>>) target(%arg12 : memref<10008x128xf32, #tpu.memory_space<vmem_shared>>) target_semaphore(%run_scoped3A : memref<!tpu.dma_semaphore, #tpu.memory_space<semaphore_mem>>)
        tpu.wait_dma2 semaphore(%run_scoped3A : memref<!tpu.dma_semaphore, #tpu.memory_space<semaphore_mem>>) src(%arg6 : memref<10008x128xf32, #tpu.memory_space<hbm>>) dst(%arg12 : memref<10008x128xf32, #tpu.memory_space<vmem_shared>>)
        tpu.yield
      }) : () -> ()
    } else {
    }
    "tpu.region"() ({
      %run_scoped3A = tpu.sem_alloc : memref<!tpu.dma_semaphore, #tpu.memory_space<semaphore_mem>>
      %dma_start3A = arith.constant 0 : i32
      %dma_start3A_22 = arith.constant 0 : i32
      %dma_start3A_23 = tpu.memref_slice %arg4[%arg1, %dma_start3A, %dma_start3A_22] : memref<16x79x128xi32, #tpu.memory_space<hbm>> -> memref<1x79x128xi32, #tpu.memory_space<hbm>>
      %dma_start3A_24 = tpu.memref_squeeze %dma_start3A_23 : memref<1x79x128xi32, #tpu.memory_space<hbm>> -> memref<79x128xi32, #tpu.memory_space<hbm>>
      %dma_start3A_25 = arith.constant 0 : i32
      %dma_start3A_26 = arith.constant 0 : i32
      %dma_start3A_27 = tpu.memref_slice %arg4[%arg1, %dma_start3A_25, %dma_start3A_26] : memref<16x79x128xi32, #tpu.memory_space<hbm>> -> memref<1x79x128xi32, #tpu.memory_space<hbm>>
      %dma_start3A_28 = tpu.memref_squeeze %dma_start3A_27 : memref<1x79x128xi32, #tpu.memory_space<hbm>> -> memref<79x128xi32, #tpu.memory_space<hbm>>
      tpu.enqueue_dma source(%dma_start3A_28 : memref<79x128xi32, #tpu.memory_space<hbm>>) target(%arg9 : memref<79x128xi32, #tpu.memory_space<vmem>>) target_semaphore(%run_scoped3A : memref<!tpu.dma_semaphore, #tpu.memory_space<semaphore_mem>>)
      %dma_wait3A = arith.constant 0 : i32
      %dma_wait3A_29 = arith.constant 0 : i32
      %dma_wait3A_30 = tpu.memref_slice %arg4[%arg1, %dma_wait3A, %dma_wait3A_29] : memref<16x79x128xi32, #tpu.memory_space<hbm>> -> memref<1x79x128xi32, #tpu.memory_space<hbm>>
      %dma_wait3A_31 = tpu.memref_squeeze %dma_wait3A_30 : memref<1x79x128xi32, #tpu.memory_space<hbm>> -> memref<79x128xi32, #tpu.memory_space<hbm>>
      %dma_wait3A_32 = arith.constant 0 : i32
      %dma_wait3A_33 = arith.constant 0 : i32
      %dma_wait3A_34 = tpu.memref_slice %arg4[%arg1, %dma_wait3A_32, %dma_wait3A_33] : memref<16x79x128xi32, #tpu.memory_space<hbm>> -> memref<1x79x128xi32, #tpu.memory_space<hbm>>
      %dma_wait3A_35 = tpu.memref_squeeze %dma_wait3A_34 : memref<1x79x128xi32, #tpu.memory_space<hbm>> -> memref<79x128xi32, #tpu.memory_space<hbm>>
      tpu.wait_dma2 semaphore(%run_scoped3A : memref<!tpu.dma_semaphore, #tpu.memory_space<semaphore_mem>>) src(%dma_wait3A_35 : memref<79x128xi32, #tpu.memory_space<hbm>>) dst(%arg9 : memref<79x128xi32, #tpu.memory_space<vmem>>)
      tpu.yield
    }) : () -> ()
    "tpu.region"() ({
      %run_scoped3A = tpu.sem_alloc : memref<!tpu.dma_semaphore, #tpu.memory_space<semaphore_mem>>
      %dma_start3A = arith.constant 0 : i32
      %dma_start3A_22 = arith.constant 0 : i32
      %dma_start3A_23 = tpu.memref_slice %arg5[%arg1, %dma_start3A, %dma_start3A_22] : memref<16x79x128xi32, #tpu.memory_space<hbm>> -> memref<1x79x128xi32, #tpu.memory_space<hbm>>
      %dma_start3A_24 = tpu.memref_squeeze %dma_start3A_23 : memref<1x79x128xi32, #tpu.memory_space<hbm>> -> memref<79x128xi32, #tpu.memory_space<hbm>>
      %dma_start3A_25 = arith.constant 0 : i32
      %dma_start3A_26 = arith.constant 0 : i32
      %dma_start3A_27 = tpu.memref_slice %arg5[%arg1, %dma_start3A_25, %dma_start3A_26] : memref<16x79x128xi32, #tpu.memory_space<hbm>> -> memref<1x79x128xi32, #tpu.memory_space<hbm>>
      %dma_start3A_28 = tpu.memref_squeeze %dma_start3A_27 : memref<1x79x128xi32, #tpu.memory_space<hbm>> -> memref<79x128xi32, #tpu.memory_space<hbm>>
      tpu.enqueue_dma source(%dma_start3A_28 : memref<79x128xi32, #tpu.memory_space<hbm>>) target(%arg10 : memref<79x128xi32, #tpu.memory_space<vmem>>) target_semaphore(%run_scoped3A : memref<!tpu.dma_semaphore, #tpu.memory_space<semaphore_mem>>)
      %dma_wait3A = arith.constant 0 : i32
      %dma_wait3A_29 = arith.constant 0 : i32
      %dma_wait3A_30 = tpu.memref_slice %arg5[%arg1, %dma_wait3A, %dma_wait3A_29] : memref<16x79x128xi32, #tpu.memory_space<hbm>> -> memref<1x79x128xi32, #tpu.memory_space<hbm>>
      %dma_wait3A_31 = tpu.memref_squeeze %dma_wait3A_30 : memref<1x79x128xi32, #tpu.memory_space<hbm>> -> memref<79x128xi32, #tpu.memory_space<hbm>>
      %dma_wait3A_32 = arith.constant 0 : i32
      %dma_wait3A_33 = arith.constant 0 : i32
      %dma_wait3A_34 = tpu.memref_slice %arg5[%arg1, %dma_wait3A_32, %dma_wait3A_33] : memref<16x79x128xi32, #tpu.memory_space<hbm>> -> memref<1x79x128xi32, #tpu.memory_space<hbm>>
      %dma_wait3A_35 = tpu.memref_squeeze %dma_wait3A_34 : memref<1x79x128xi32, #tpu.memory_space<hbm>> -> memref<79x128xi32, #tpu.memory_space<hbm>>
      tpu.wait_dma2 semaphore(%run_scoped3A : memref<!tpu.dma_semaphore, #tpu.memory_space<semaphore_mem>>) src(%dma_wait3A_35 : memref<79x128xi32, #tpu.memory_space<hbm>>) dst(%arg10 : memref<79x128xi32, #tpu.memory_space<vmem>>)
      tpu.yield
    }) : () -> ()
    %barrier3A = arith.constant 0 : index
    tpu.barrier barrier_id(%barrier3A)
    %scan3A = arith.constant 0 : i32
    %scan3A_2 = arith.constant 79 : i32
    %scan3A_3 = arith.addi %scan3A, %scan3A_2 : i32
    %scan3A_4 = arith.constant 1 : i32
    scf.for %scan3A_22 = %scan3A to %scan3A_3 step %scan3A_4  : i32 {
      %mul3A = arith.constant 1 : i32
      %mul3A_23 = arith.muli %scan3A_22, %mul3A : i32
      %add3A = arith.constant 0 : i32
      %add3A_24 = arith.addi %add3A, %mul3A_23 : i32
      %eq3A_25 = arith.constant 0 : i32
      %eq3A_26 = arith.cmpi eq, %arg0, %eq3A_25 : i32
      %convert_element_type3A_27 = arith.extui %eq3A_26 : i1 to i32
      %cond3A_28 = arith.constant 0 : i32
      %cond3A_29 = arith.cmpi ne, %convert_element_type3A_27, %cond3A_28 : i32
      scf.if %cond3A_29 {
        "tpu.region"() ({
          %run_scoped3A = tpu.sem_alloc : memref<!tpu.dma_semaphore, #tpu.memory_space<semaphore_mem>>
          %dma_start3A = arith.constant 0 : i32
          %dma_start3A_35 = tpu.memref_slice %arg9[%add3A_24, %dma_start3A] : memref<79x128xi32, #tpu.memory_space<vmem>> -> memref<1x128xi32, #tpu.memory_space<vmem>>
          %dma_start3A_36 = tpu.memref_squeeze %dma_start3A_35 : memref<1x128xi32, #tpu.memory_space<vmem>> -> memref<128xi32, #tpu.memory_space<vmem>>
          %dma_start3A_37 = arith.constant 0 : i32
          %dma_start3A_38 = arith.constant 0 : i32
          %dma_start3A_39 = tpu.memref_slice %arg2[%dma_start3A_37, %dma_start3A_38] : memref<10000x128xf32, #tpu.memory_space<hbm>> -> memref<10000x128xf32, #tpu.memory_space<hbm>>
          tpu.enqueue_indirect_dma source(%dma_start3A_39 : memref<10000x128xf32, #tpu.memory_space<hbm>>) target(%arg11 : memref<128x128xf32, #tpu.memory_space<vmem>>) offsets(%dma_start3A_36 : memref<128xi32, #tpu.memory_space<vmem>>) semaphore(%run_scoped3A : memref<!tpu.dma_semaphore, #tpu.memory_space<semaphore_mem>>)
          %dma_wait3A = arith.constant 0 : i32
          %dma_wait3A_40 = tpu.memref_slice %arg9[%add3A_24, %dma_wait3A] : memref<79x128xi32, #tpu.memory_space<vmem>> -> memref<1x128xi32, #tpu.memory_space<vmem>>
          %dma_wait3A_41 = tpu.memref_squeeze %dma_wait3A_40 : memref<1x128xi32, #tpu.memory_space<vmem>> -> memref<128xi32, #tpu.memory_space<vmem>>
          %dma_wait3A_42 = arith.constant 0 : i32
          %dma_wait3A_43 = arith.constant 0 : i32
          %dma_wait3A_44 = tpu.memref_slice %arg2[%dma_wait3A_42, %dma_wait3A_43] : memref<10000x128xf32, #tpu.memory_space<hbm>> -> memref<10000x128xf32, #tpu.memory_space<hbm>>
          tpu.wait_indirect_dma semaphore(%run_scoped3A : memref<!tpu.dma_semaphore, #tpu.memory_space<semaphore_mem>>) src(%dma_wait3A_44 : memref<10000x128xf32, #tpu.memory_space<hbm>>) dst(%arg11 : memref<128x128xf32, #tpu.memory_space<vmem>>)
          tpu.yield
        }) : () -> ()
      } else {
      }
      %eq3A_30 = arith.constant 1 : i32
      %eq3A_31 = arith.cmpi eq, %arg0, %eq3A_30 : i32
      %convert_element_type3A_32 = arith.extui %eq3A_31 : i1 to i32
      %cond3A_33 = arith.constant 0 : i32
      %cond3A_34 = arith.cmpi ne, %convert_element_type3A_32, %cond3A_33 : i32
      scf.if %cond3A_34 {
        "tpu.region"() ({
          %run_scoped3A = tpu.sem_alloc : memref<!tpu.dma_semaphore, #tpu.memory_space<semaphore_mem>>
          %dma_start3A = arith.constant 0 : i32
          %dma_start3A_35 = tpu.memref_slice %arg9[%add3A_24, %dma_start3A] : memref<79x128xi32, #tpu.memory_space<vmem>> -> memref<1x128xi32, #tpu.memory_space<vmem>>
          %dma_start3A_36 = tpu.memref_squeeze %dma_start3A_35 : memref<1x128xi32, #tpu.memory_space<vmem>> -> memref<128xi32, #tpu.memory_space<vmem>>
          %dma_start3A_37 = arith.constant 0 : i32
          %dma_start3A_38 = arith.constant 0 : i32
          %dma_start3A_39 = tpu.memref_slice %arg3[%dma_start3A_37, %dma_start3A_38] : memref<10000x128xf32, #tpu.memory_space<hbm>> -> memref<10000x128xf32, #tpu.memory_space<hbm>>
          tpu.enqueue_indirect_dma source(%dma_start3A_39 : memref<10000x128xf32, #tpu.memory_space<hbm>>) target(%arg11 : memref<128x128xf32, #tpu.memory_space<vmem>>) offsets(%dma_start3A_36 : memref<128xi32, #tpu.memory_space<vmem>>) semaphore(%run_scoped3A : memref<!tpu.dma_semaphore, #tpu.memory_space<semaphore_mem>>)
          %dma_wait3A = arith.constant 0 : i32
          %dma_wait3A_40 = tpu.memref_slice %arg9[%add3A_24, %dma_wait3A] : memref<79x128xi32, #tpu.memory_space<vmem>> -> memref<1x128xi32, #tpu.memory_space<vmem>>
          %dma_wait3A_41 = tpu.memref_squeeze %dma_wait3A_40 : memref<1x128xi32, #tpu.memory_space<vmem>> -> memref<128xi32, #tpu.memory_space<vmem>>
          %dma_wait3A_42 = arith.constant 0 : i32
          %dma_wait3A_43 = arith.constant 0 : i32
          %dma_wait3A_44 = tpu.memref_slice %arg3[%dma_wait3A_42, %dma_wait3A_43] : memref<10000x128xf32, #tpu.memory_space<hbm>> -> memref<10000x128xf32, #tpu.memory_space<hbm>>
          tpu.wait_indirect_dma semaphore(%run_scoped3A : memref<!tpu.dma_semaphore, #tpu.memory_space<semaphore_mem>>) src(%dma_wait3A_44 : memref<10000x128xf32, #tpu.memory_space<hbm>>) dst(%arg11 : memref<128x128xf32, #tpu.memory_space<vmem>>)
          tpu.yield
        }) : () -> ()
      } else {
      }
      "tpu.region"() ({
        %run_scoped3A = tpu.sem_alloc : memref<!tpu.dma_semaphore, #tpu.memory_space<semaphore_mem>>
        %dma_start3A = arith.constant 0 : i32
        %dma_start3A_35 = tpu.memref_slice %arg10[%add3A_24, %dma_start3A] : memref<79x128xi32, #tpu.memory_space<vmem>> -> memref<1x128xi32, #tpu.memory_space<vmem>>
        %dma_start3A_36 = tpu.memref_squeeze %dma_start3A_35 : memref<1x128xi32, #tpu.memory_space<vmem>> -> memref<128xi32, #tpu.memory_space<vmem>>
        %dma_start3A_37 = arith.constant 0 : i32
        %dma_start3A_38 = arith.constant 0 : i32
        %dma_start3A_39 = tpu.memref_slice %arg12[%dma_start3A_37, %dma_start3A_38] : memref<10008x128xf32, #tpu.memory_space<vmem_shared>> -> memref<10008x128xf32, #tpu.memory_space<vmem_shared>>
        tpu.enqueue_indirect_dma source(%arg11 : memref<128x128xf32, #tpu.memory_space<vmem>>) target(%dma_start3A_39 : memref<10008x128xf32, #tpu.memory_space<vmem_shared>>) offsets(%dma_start3A_36 : memref<128xi32, #tpu.memory_space<vmem>>) semaphore(%run_scoped3A : memref<!tpu.dma_semaphore, #tpu.memory_space<semaphore_mem>>) {add = true}
        %dma_wait3A = arith.constant 0 : i32
        %dma_wait3A_40 = tpu.memref_slice %arg10[%add3A_24, %dma_wait3A] : memref<79x128xi32, #tpu.memory_space<vmem>> -> memref<1x128xi32, #tpu.memory_space<vmem>>
        %dma_wait3A_41 = tpu.memref_squeeze %dma_wait3A_40 : memref<1x128xi32, #tpu.memory_space<vmem>> -> memref<128xi32, #tpu.memory_space<vmem>>
        %dma_wait3A_42 = arith.constant 0 : i32
        %dma_wait3A_43 = arith.constant 0 : i32
        %dma_wait3A_44 = tpu.memref_slice %arg12[%dma_wait3A_42, %dma_wait3A_43] : memref<10008x128xf32, #tpu.memory_space<vmem_shared>> -> memref<10008x128xf32, #tpu.memory_space<vmem_shared>>
        tpu.wait_indirect_dma semaphore(%run_scoped3A : memref<!tpu.dma_semaphore, #tpu.memory_space<semaphore_mem>>) src(%arg11 : memref<128x128xf32, #tpu.memory_space<vmem>>) dst(%dma_wait3A_44 : memref<10008x128xf32, #tpu.memory_space<vmem_shared>>)
        tpu.yield
      }) : () -> ()
    }
    %scan3A_5 = arith.constant 79 : i32
    %barrier3A_6 = arith.constant 0 : index
    tpu.barrier barrier_id(%barrier3A_6)
    %eq3A_7 = arith.constant 0 : i32
    %eq3A_8 = arith.cmpi eq, %arg1, %eq3A_7 : i32
    %eq3A_9 = arith.constant 0 : i32
    %eq3A_10 = arith.cmpi eq, %arg0, %eq3A_9 : i32
    %and3A = arith.andi %eq3A_8, %eq3A_10 : i1
    %convert_element_type3A_11 = arith.extui %and3A : i1 to i32
    %cond3A_12 = arith.constant 0 : i32
    %cond3A_13 = arith.cmpi ne, %convert_element_type3A_11, %cond3A_12 : i32
    scf.if %cond3A_13 {
      "tpu.region"() ({
        %run_scoped3A = tpu.sem_alloc : memref<!tpu.dma_semaphore, #tpu.memory_space<semaphore_mem>>
        tpu.enqueue_dma source(%arg12 : memref<10008x128xf32, #tpu.memory_space<vmem_shared>>) target(%arg7 : memref<10008x128xf32, #tpu.memory_space<hbm>>) target_semaphore(%run_scoped3A : memref<!tpu.dma_semaphore, #tpu.memory_space<semaphore_mem>>)
        tpu.wait_dma2 semaphore(%run_scoped3A : memref<!tpu.dma_semaphore, #tpu.memory_space<semaphore_mem>>) src(%arg12 : memref<10008x128xf32, #tpu.memory_space<vmem_shared>>) dst(%arg7 : memref<10008x128xf32, #tpu.memory_space<hbm>>)
        tpu.yield
      }) : () -> ()
    } else {
    }
    %eq3A_14 = arith.constant 0 : i32
    %eq3A_15 = arith.cmpi eq, %arg1, %eq3A_14 : i32
    %eq3A_16 = arith.constant 1 : i32
    %eq3A_17 = arith.cmpi eq, %arg0, %eq3A_16 : i32
    %and3A_18 = arith.andi %eq3A_15, %eq3A_17 : i1
    %convert_element_type3A_19 = arith.extui %and3A_18 : i1 to i32
    %cond3A_20 = arith.constant 0 : i32
    %cond3A_21 = arith.cmpi ne, %convert_element_type3A_19, %cond3A_20 : i32
    scf.if %cond3A_21 {
      "tpu.region"() ({
        %run_scoped3A = tpu.sem_alloc : memref<!tpu.dma_semaphore, #tpu.memory_space<semaphore_mem>>
        tpu.enqueue_dma source(%arg12 : memref<10008x128xf32, #tpu.memory_space<vmem_shared>>) target(%arg8 : memref<10008x128xf32, #tpu.memory_space<hbm>>) target_semaphore(%run_scoped3A : memref<!tpu.dma_semaphore, #tpu.memory_space<semaphore_mem>>)
        tpu.wait_dma2 semaphore(%run_scoped3A : memref<!tpu.dma_semaphore, #tpu.memory_space<semaphore_mem>>) src(%arg12 : memref<10008x128xf32, #tpu.memory_space<vmem_shared>>) dst(%arg8 : memref<10008x128xf32, #tpu.memory_space<hbm>>)
        tpu.yield
      }) : () -> ()
    } else {
    }
    return
  }
}

#map = affine_map<(d0, d1) -> (0, 0, 0)>
#map1 = affine_map<(d0, d1) -> (0, 0)>
module attributes {stable_mosaic.version = 14 : i64} {
  func.func @cnt(%arg0: i32, %arg1: i32, %arg2: memref<32x40x128xi32, #tpu.memory_space<hbm>>, %arg3: memref<10008x128xf32, #tpu.memory_space<hbm>>, %arg4: memref<128x128xf32, #tpu.memory_space<hbm>>, %arg5: memref<2x10008x128xf32, #tpu.memory_space<hbm>>, %arg6: memref<40x128xi32, #tpu.memory_space<vmem>>, %arg7: memref<128x128xf32, #tpu.memory_space<vmem>>, %arg8: memref<10008x128xf32, #tpu.memory_space<vmem_shared>>) attributes {dimension_semantics = [#tpu.dimension_semantics<core_parallel>, #tpu.dimension_semantics<subcore_parallel>], iteration_bounds = array<i64: 2, 16>, scalar_prefetch = 0 : i64, scratch_operands = 3 : i64, tpu.core_type = #tpu.core_type<sc_vector_subcore>, window_params = [{transform_indices = #map}, {transform_indices = #map1}, {transform_indices = #map1}, {transform_indices = #map}]} {
    %eq3A = arith.constant 0 : i32
    %eq3A_0 = arith.cmpi eq, %arg1, %eq3A : i32
    %convert_element_type3A = arith.extui %eq3A_0 : i1 to i32
    %cond3A = arith.constant 0 : i32
    %cond3A_1 = arith.cmpi ne, %convert_element_type3A, %cond3A : i32
    scf.if %cond3A_1 {
      "tpu.region"() ({
        %run_scoped3A = tpu.sem_alloc : memref<!tpu.dma_semaphore, #tpu.memory_space<semaphore_mem>>
        tpu.enqueue_dma source(%arg3 : memref<10008x128xf32, #tpu.memory_space<hbm>>) target(%arg8 : memref<10008x128xf32, #tpu.memory_space<vmem_shared>>) target_semaphore(%run_scoped3A : memref<!tpu.dma_semaphore, #tpu.memory_space<semaphore_mem>>)
        tpu.wait_dma2 semaphore(%run_scoped3A : memref<!tpu.dma_semaphore, #tpu.memory_space<semaphore_mem>>) src(%arg3 : memref<10008x128xf32, #tpu.memory_space<hbm>>) dst(%arg8 : memref<10008x128xf32, #tpu.memory_space<vmem_shared>>)
        tpu.yield
      }) : () -> ()
    } else {
    }
    %mul3A = arith.constant 16 : i32
    %mul3A_2 = arith.muli %arg0, %mul3A : i32
    %add3A = arith.addi %mul3A_2, %arg1 : i32
    "tpu.region"() ({
      %run_scoped3A = tpu.sem_alloc : memref<!tpu.dma_semaphore, #tpu.memory_space<semaphore_mem>>
      %dma_start3A = arith.constant 0 : i32
      %dma_start3A_13 = arith.constant 0 : i32
      %dma_start3A_14 = tpu.memref_slice %arg2[%add3A, %dma_start3A, %dma_start3A_13] : memref<32x40x128xi32, #tpu.memory_space<hbm>> -> memref<1x40x128xi32, #tpu.memory_space<hbm>>
      %dma_start3A_15 = tpu.memref_squeeze %dma_start3A_14 : memref<1x40x128xi32, #tpu.memory_space<hbm>> -> memref<40x128xi32, #tpu.memory_space<hbm>>
      %dma_start3A_16 = arith.constant 0 : i32
      %dma_start3A_17 = arith.constant 0 : i32
      %dma_start3A_18 = tpu.memref_slice %arg2[%add3A, %dma_start3A_16, %dma_start3A_17] : memref<32x40x128xi32, #tpu.memory_space<hbm>> -> memref<1x40x128xi32, #tpu.memory_space<hbm>>
      %dma_start3A_19 = tpu.memref_squeeze %dma_start3A_18 : memref<1x40x128xi32, #tpu.memory_space<hbm>> -> memref<40x128xi32, #tpu.memory_space<hbm>>
      tpu.enqueue_dma source(%dma_start3A_19 : memref<40x128xi32, #tpu.memory_space<hbm>>) target(%arg6 : memref<40x128xi32, #tpu.memory_space<vmem>>) target_semaphore(%run_scoped3A : memref<!tpu.dma_semaphore, #tpu.memory_space<semaphore_mem>>)
      %dma_wait3A = arith.constant 0 : i32
      %dma_wait3A_20 = arith.constant 0 : i32
      %dma_wait3A_21 = tpu.memref_slice %arg2[%add3A, %dma_wait3A, %dma_wait3A_20] : memref<32x40x128xi32, #tpu.memory_space<hbm>> -> memref<1x40x128xi32, #tpu.memory_space<hbm>>
      %dma_wait3A_22 = tpu.memref_squeeze %dma_wait3A_21 : memref<1x40x128xi32, #tpu.memory_space<hbm>> -> memref<40x128xi32, #tpu.memory_space<hbm>>
      %dma_wait3A_23 = arith.constant 0 : i32
      %dma_wait3A_24 = arith.constant 0 : i32
      %dma_wait3A_25 = tpu.memref_slice %arg2[%add3A, %dma_wait3A_23, %dma_wait3A_24] : memref<32x40x128xi32, #tpu.memory_space<hbm>> -> memref<1x40x128xi32, #tpu.memory_space<hbm>>
      %dma_wait3A_26 = tpu.memref_squeeze %dma_wait3A_25 : memref<1x40x128xi32, #tpu.memory_space<hbm>> -> memref<40x128xi32, #tpu.memory_space<hbm>>
      tpu.wait_dma2 semaphore(%run_scoped3A : memref<!tpu.dma_semaphore, #tpu.memory_space<semaphore_mem>>) src(%dma_wait3A_26 : memref<40x128xi32, #tpu.memory_space<hbm>>) dst(%arg6 : memref<40x128xi32, #tpu.memory_space<vmem>>)
      tpu.yield
    }) : () -> ()
    "tpu.region"() ({
      %run_scoped3A = tpu.sem_alloc : memref<!tpu.dma_semaphore, #tpu.memory_space<semaphore_mem>>
      tpu.enqueue_dma source(%arg4 : memref<128x128xf32, #tpu.memory_space<hbm>>) target(%arg7 : memref<128x128xf32, #tpu.memory_space<vmem>>) target_semaphore(%run_scoped3A : memref<!tpu.dma_semaphore, #tpu.memory_space<semaphore_mem>>)
      tpu.wait_dma2 semaphore(%run_scoped3A : memref<!tpu.dma_semaphore, #tpu.memory_space<semaphore_mem>>) src(%arg4 : memref<128x128xf32, #tpu.memory_space<hbm>>) dst(%arg7 : memref<128x128xf32, #tpu.memory_space<vmem>>)
      tpu.yield
    }) : () -> ()
    %barrier3A = arith.constant 0 : index
    tpu.barrier barrier_id(%barrier3A)
    %scan3A = arith.constant 0 : i32
    %scan3A_3 = arith.constant 40 : i32
    %scan3A_4 = arith.addi %scan3A, %scan3A_3 : i32
    %scan3A_5 = arith.constant 1 : i32
    scf.for %scan3A_13 = %scan3A to %scan3A_4 step %scan3A_5  : i32 {
      %mul3A_14 = arith.constant 1 : i32
      %mul3A_15 = arith.muli %scan3A_13, %mul3A_14 : i32
      %add3A_16 = arith.constant 0 : i32
      %add3A_17 = arith.addi %add3A_16, %mul3A_15 : i32
      "tpu.region"() ({
        %run_scoped3A = tpu.sem_alloc : memref<!tpu.dma_semaphore, #tpu.memory_space<semaphore_mem>>
        %dma_start3A = arith.constant 0 : i32
        %dma_start3A_18 = tpu.memref_slice %arg6[%add3A_17, %dma_start3A] : memref<40x128xi32, #tpu.memory_space<vmem>> -> memref<1x128xi32, #tpu.memory_space<vmem>>
        %dma_start3A_19 = tpu.memref_squeeze %dma_start3A_18 : memref<1x128xi32, #tpu.memory_space<vmem>> -> memref<128xi32, #tpu.memory_space<vmem>>
        %dma_start3A_20 = arith.constant 0 : i32
        %dma_start3A_21 = arith.constant 0 : i32
        %dma_start3A_22 = tpu.memref_slice %arg8[%dma_start3A_20, %dma_start3A_21] : memref<10008x128xf32, #tpu.memory_space<vmem_shared>> -> memref<10008x128xf32, #tpu.memory_space<vmem_shared>>
        tpu.enqueue_indirect_dma source(%arg7 : memref<128x128xf32, #tpu.memory_space<vmem>>) target(%dma_start3A_22 : memref<10008x128xf32, #tpu.memory_space<vmem_shared>>) offsets(%dma_start3A_19 : memref<128xi32, #tpu.memory_space<vmem>>) semaphore(%run_scoped3A : memref<!tpu.dma_semaphore, #tpu.memory_space<semaphore_mem>>) {add = true}
        %dma_wait3A = arith.constant 0 : i32
        %dma_wait3A_23 = tpu.memref_slice %arg6[%add3A_17, %dma_wait3A] : memref<40x128xi32, #tpu.memory_space<vmem>> -> memref<1x128xi32, #tpu.memory_space<vmem>>
        %dma_wait3A_24 = tpu.memref_squeeze %dma_wait3A_23 : memref<1x128xi32, #tpu.memory_space<vmem>> -> memref<128xi32, #tpu.memory_space<vmem>>
        %dma_wait3A_25 = arith.constant 0 : i32
        %dma_wait3A_26 = arith.constant 0 : i32
        %dma_wait3A_27 = tpu.memref_slice %arg8[%dma_wait3A_25, %dma_wait3A_26] : memref<10008x128xf32, #tpu.memory_space<vmem_shared>> -> memref<10008x128xf32, #tpu.memory_space<vmem_shared>>
        tpu.wait_indirect_dma semaphore(%run_scoped3A : memref<!tpu.dma_semaphore, #tpu.memory_space<semaphore_mem>>) src(%arg7 : memref<128x128xf32, #tpu.memory_space<vmem>>) dst(%dma_wait3A_27 : memref<10008x128xf32, #tpu.memory_space<vmem_shared>>)
        tpu.yield
      }) : () -> ()
    }
    %scan3A_6 = arith.constant 40 : i32
    %barrier3A_7 = arith.constant 0 : index
    tpu.barrier barrier_id(%barrier3A_7)
    %eq3A_8 = arith.constant 0 : i32
    %eq3A_9 = arith.cmpi eq, %arg1, %eq3A_8 : i32
    %convert_element_type3A_10 = arith.extui %eq3A_9 : i1 to i32
    %cond3A_11 = arith.constant 0 : i32
    %cond3A_12 = arith.cmpi ne, %convert_element_type3A_10, %cond3A_11 : i32
    scf.if %cond3A_12 {
      "tpu.region"() ({
        %run_scoped3A = tpu.sem_alloc : memref<!tpu.dma_semaphore, #tpu.memory_space<semaphore_mem>>
        %dma_start3A = arith.constant 0 : i32
        %dma_start3A_13 = arith.constant 0 : i32
        %dma_start3A_14 = tpu.memref_slice %arg5[%arg0, %dma_start3A, %dma_start3A_13] : memref<2x10008x128xf32, #tpu.memory_space<hbm>> -> memref<1x10008x128xf32, #tpu.memory_space<hbm>>
        %dma_start3A_15 = tpu.memref_squeeze %dma_start3A_14 : memref<1x10008x128xf32, #tpu.memory_space<hbm>> -> memref<10008x128xf32, #tpu.memory_space<hbm>>
        tpu.enqueue_dma source(%arg8 : memref<10008x128xf32, #tpu.memory_space<vmem_shared>>) target(%dma_start3A_15 : memref<10008x128xf32, #tpu.memory_space<hbm>>) target_semaphore(%run_scoped3A : memref<!tpu.dma_semaphore, #tpu.memory_space<semaphore_mem>>)
        %dma_wait3A = arith.constant 0 : i32
        %dma_wait3A_16 = arith.constant 0 : i32
        %dma_wait3A_17 = tpu.memref_slice %arg5[%arg0, %dma_wait3A, %dma_wait3A_16] : memref<2x10008x128xf32, #tpu.memory_space<hbm>> -> memref<1x10008x128xf32, #tpu.memory_space<hbm>>
        %dma_wait3A_18 = tpu.memref_squeeze %dma_wait3A_17 : memref<1x10008x128xf32, #tpu.memory_space<hbm>> -> memref<10008x128xf32, #tpu.memory_space<hbm>>
        tpu.wait_dma2 semaphore(%run_scoped3A : memref<!tpu.dma_semaphore, #tpu.memory_space<semaphore_mem>>) src(%arg8 : memref<10008x128xf32, #tpu.memory_space<vmem_shared>>) dst(%dma_wait3A_18 : memref<10008x128xf32, #tpu.memory_space<hbm>>)
        tpu.yield
      }) : () -> ()
    } else {
    }
    return
  }
}

module attributes {stable_mosaic.version = 14 : i64} {
  func.func @_layer1_body(%arg0: i32, %arg1: memref<1000x128xf32, #tpu.memory_space<vmem>>, %arg2: memref<1000x128xf32, #tpu.memory_space<vmem>>, %arg3: memref<1x1000x128xf32, #tpu.memory_space<vmem>>, %arg4: memref<1x1000x128xf32, #tpu.memory_space<vmem>>, %arg5: memref<1000x256xf32, #tpu.memory_space<vmem>>, %arg6: memref<128x256xf32, #tpu.memory_space<vmem>>, %arg7: memref<128x256xf32, #tpu.memory_space<vmem>>, %arg8: memref<256x256xf32, #tpu.memory_space<vmem>>, %arg9: memref<1x256xf32, #tpu.memory_space<vmem>>, %arg10: memref<1000x128xf32, #tpu.memory_space<vmem>>, %arg11: memref<1000x128xf32, #tpu.memory_space<vmem>>) attributes {dimension_semantics = [#tpu.dimension_semantics<arbitrary>], iteration_bounds = array<i64: 10>, scalar_prefetch = 0 : i64, scratch_operands = 0 : i64, tpu.core_type = #tpu.core_type<tc>, window_params = [{transform_indices = @transform_0, window_bounds = array<i64: 1000, 128>}, {transform_indices = @transform_1, window_bounds = array<i64: 1000, 128>}, {transform_indices = @transform_2, window_bounds = array<i64: 1, 1000, 128>}, {transform_indices = @transform_3, window_bounds = array<i64: 1, 1000, 128>}, {transform_indices = @transform_4, window_bounds = array<i64: 1000, 256>}, {pipeline_mode = #tpu.pipeline_mode<synchronous>, transform_indices = @transform_5, window_bounds = array<i64: 128, 256>}, {pipeline_mode = #tpu.pipeline_mode<synchronous>, transform_indices = @transform_6, window_bounds = array<i64: 128, 256>}, {pipeline_mode = #tpu.pipeline_mode<synchronous>, transform_indices = @transform_7, window_bounds = array<i64: 256, 256>}, {pipeline_mode = #tpu.pipeline_mode<synchronous>, transform_indices = @transform_8, window_bounds = array<i64: 1, 256>}, {transform_indices = @transform_9, window_bounds = array<i64: 1000, 128>}, {transform_indices = @transform_10, window_bounds = array<i64: 1000, 128>}]} {
    %get3A = arith.constant 0 : index
    %get3A_0 = arith.constant 0 : index
    %get3A_1 = arith.constant 0 : index
    %get3A_2 = vector.load %arg3[%get3A, %get3A_0, %get3A_1] : memref<1x1000x128xf32, #tpu.memory_space<vmem>>, vector<1x1000x128xf32>
    %get3A_3 = vector.shape_cast %get3A_2 : vector<1x1000x128xf32> to vector<1000x128xf32>
    %slice3A = vector.extract_strided_slice %get3A_3 {offsets = [0, 0], sizes = [1000, 1], strides = [1, 1]} : vector<1000x128xf32> to vector<1000x1xf32>
    %get3A_4 = arith.constant 0 : index
    %get3A_5 = arith.constant 0 : index
    %get3A_6 = arith.constant 0 : index
    %get3A_7 = vector.load %arg4[%get3A_4, %get3A_5, %get3A_6] : memref<1x1000x128xf32, #tpu.memory_space<vmem>>, vector<1x1000x128xf32>
    %get3A_8 = vector.shape_cast %get3A_7 : vector<1x1000x128xf32> to vector<1000x128xf32>
    %slice3A_9 = vector.extract_strided_slice %get3A_8 {offsets = [0, 0], sizes = [1000, 1], strides = [1, 1]} : vector<1000x128xf32> to vector<1000x1xf32>
    %add3A = arith.addf %slice3A, %slice3A_9 : vector<1000x1xf32>
    %max3A = arith.constant 1.000000e+00 : f32
    %max3A_10 = vector.broadcast %max3A : f32 to vector<1000x1xf32>
    %max3A_11 = arith.maximumf %add3A, %max3A_10 : vector<1000x1xf32>
    %div3A = arith.constant 1.000000e+00 : f32
    %div3A_12 = vector.broadcast %div3A : f32 to vector<1000x1xf32>
    %div3A_13 = arith.divf %div3A_12, %max3A_11 : vector<1000x1xf32>
    %get3A_14 = arith.constant 0 : index
    %get3A_15 = arith.constant 0 : index
    %get3A_16 = vector.load %arg1[%get3A_14, %get3A_15] : memref<1000x128xf32, #tpu.memory_space<vmem>>, vector<1000x128xf32>
    %mul3A = vector.broadcast %div3A_13 : vector<1000x1xf32> to vector<1000x128xf32>
    %mul3A_17 = arith.mulf %get3A_16, %mul3A : vector<1000x128xf32>
    %get3A_18 = arith.constant 0 : index
    %get3A_19 = arith.constant 0 : index
    %get3A_20 = vector.load %arg6[%get3A_18, %get3A_19] : memref<128x256xf32, #tpu.memory_space<vmem>>, vector<128x256xf32>
    %dot_general3A = arith.constant dense<0.000000e+00> : vector<1000x256xf32>
    %dot_general3A_21 = tpu.matmul %mul3A_17, %get3A_20, %dot_general3A {dimension_numbers = #tpu.dot_dimension_numbers<[1], [0], [0], [1], [0, 0, 1, 1], [], []>, transpose_lhs_hint = false} : vector<1000x128xf32>, vector<128x256xf32>, vector<1000x256xf32> -> vector<1000x256xf32>
    %get3A_22 = arith.constant 0 : index
    %get3A_23 = arith.constant 0 : index
    %get3A_24 = vector.load %arg2[%get3A_22, %get3A_23] : memref<1000x128xf32, #tpu.memory_space<vmem>>, vector<1000x128xf32>
    %mul3A_25 = vector.broadcast %div3A_13 : vector<1000x1xf32> to vector<1000x128xf32>
    %mul3A_26 = arith.mulf %get3A_24, %mul3A_25 : vector<1000x128xf32>
    %get3A_27 = arith.constant 0 : index
    %get3A_28 = arith.constant 0 : index
    %get3A_29 = vector.load %arg7[%get3A_27, %get3A_28] : memref<128x256xf32, #tpu.memory_space<vmem>>, vector<128x256xf32>
    %dot_general3A_30 = arith.constant dense<0.000000e+00> : vector<1000x256xf32>
    %dot_general3A_31 = tpu.matmul %mul3A_26, %get3A_29, %dot_general3A_30 {dimension_numbers = #tpu.dot_dimension_numbers<[1], [0], [0], [1], [0, 0, 1, 1], [], []>, transpose_lhs_hint = false} : vector<1000x128xf32>, vector<128x256xf32>, vector<1000x256xf32> -> vector<1000x256xf32>
    %add3A_32 = arith.addf %dot_general3A_21, %dot_general3A_31 : vector<1000x256xf32>
    %get3A_33 = arith.constant 0 : index
    %get3A_34 = arith.constant 0 : index
    %get3A_35 = vector.load %arg5[%get3A_33, %get3A_34] : memref<1000x256xf32, #tpu.memory_space<vmem>>, vector<1000x256xf32>
    %get3A_36 = arith.constant 0 : index
    %get3A_37 = arith.constant 0 : index
    %get3A_38 = vector.load %arg8[%get3A_36, %get3A_37] : memref<256x256xf32, #tpu.memory_space<vmem>>, vector<256x256xf32>
    %dot_general3A_39 = arith.constant dense<0.000000e+00> : vector<1000x256xf32>
    %dot_general3A_40 = tpu.matmul %get3A_35, %get3A_38, %dot_general3A_39 {dimension_numbers = #tpu.dot_dimension_numbers<[1], [0], [0], [1], [0, 0, 1, 1], [], []>, transpose_lhs_hint = false} : vector<1000x256xf32>, vector<256x256xf32>, vector<1000x256xf32> -> vector<1000x256xf32>
    %add3A_41 = arith.addf %add3A_32, %dot_general3A_40 : vector<1000x256xf32>
    %get3A_42 = arith.constant 0 : index
    %get3A_43 = arith.constant 0 : index
    %get3A_44 = vector.load %arg9[%get3A_42, %get3A_43] : memref<1x256xf32, #tpu.memory_space<vmem>>, vector<1x256xf32>
    %add3A_45 = vector.broadcast %get3A_44 : vector<1x256xf32> to vector<1000x256xf32>
    %add3A_46 = arith.addf %add3A_41, %add3A_45 : vector<1000x256xf32>
    %max3A_47 = arith.constant 0.000000e+00 : f32
    %max3A_48 = vector.broadcast %max3A_47 : f32 to vector<1000x256xf32>
    %max3A_49 = arith.maximumf %add3A_46, %max3A_48 : vector<1000x256xf32>
    %slice3A_50 = vector.extract_strided_slice %max3A_49 {offsets = [0, 0], sizes = [1000, 128], strides = [1, 1]} : vector<1000x256xf32> to vector<1000x128xf32>
    %swap3A = arith.constant 0 : index
    %swap3A_51 = arith.constant 0 : index
    %swap3A_52 = vector.load %arg10[%swap3A, %swap3A_51] : memref<1000x128xf32, #tpu.memory_space<vmem>>, vector<1000x128xf32>
    tpu.vector_store %arg10[%swap3A, %swap3A_51], %slice3A_50 {strides = array<i32>} : memref<1000x128xf32, #tpu.memory_space<vmem>>, vector<1000x128xf32>,
    %slice3A_53 = vector.extract_strided_slice %max3A_49 {offsets = [0, 128], sizes = [1000, 128], strides = [1, 1]} : vector<1000x256xf32> to vector<1000x128xf32>
    %swap3A_54 = arith.constant 0 : index
    %swap3A_55 = arith.constant 0 : index
    %swap3A_56 = vector.load %arg11[%swap3A_54, %swap3A_55] : memref<1000x128xf32, #tpu.memory_space<vmem>>, vector<1000x128xf32>
    tpu.vector_store %arg11[%swap3A_54, %swap3A_55], %slice3A_53 {strides = array<i32>} : memref<1000x128xf32, #tpu.memory_space<vmem>>, vector<1000x128xf32>,
    return
  }
  func.func @transform_0(%arg0: i32) -> (i32, i32) {
    %c0_i32 = arith.constant 0 : i32
    %c0_i32_0 = arith.constant 0 : i32
    return %arg0, %c0_i32 : i32, i32
  }
  func.func @transform_1(%arg0: i32) -> (i32, i32) {
    %c0_i32 = arith.constant 0 : i32
    %c0_i32_0 = arith.constant 0 : i32
    return %arg0, %c0_i32 : i32, i32
  }
  func.func @transform_2(%arg0: i32) -> (i32, i32, i32) {
    %c0_i32 = arith.constant 0 : i32
    %c0_i32_0 = arith.constant 0 : i32
    %c0_i32_1 = arith.constant 0 : i32
    return %c0_i32, %arg0, %c0_i32_0 : i32, i32, i32
  }
  func.func @transform_3(%arg0: i32) -> (i32, i32, i32) {
    %c1_i32 = arith.constant 1 : i32
    %c0_i32 = arith.constant 0 : i32
    %c0_i32_0 = arith.constant 0 : i32
    return %c1_i32, %arg0, %c0_i32 : i32, i32, i32
  }
  func.func @transform_4(%arg0: i32) -> (i32, i32) {
    %c0_i32 = arith.constant 0 : i32
    %c0_i32_0 = arith.constant 0 : i32
    return %arg0, %c0_i32 : i32, i32
  }
  func.func @transform_5(%arg0: i32) -> (i32, i32) {
    %c0_i32 = arith.constant 0 : i32
    %c0_i32_0 = arith.constant 0 : i32
    %c0_i32_1 = arith.constant 0 : i32
    return %c0_i32, %c0_i32_0 : i32, i32
  }
  func.func @transform_6(%arg0: i32) -> (i32, i32) {
    %c0_i32 = arith.constant 0 : i32
    %c0_i32_0 = arith.constant 0 : i32
    %c0_i32_1 = arith.constant 0 : i32
    return %c0_i32, %c0_i32_0 : i32, i32
  }
  func.func @transform_7(%arg0: i32) -> (i32, i32) {
    %c0_i32 = arith.constant 0 : i32
    %c0_i32_0 = arith.constant 0 : i32
    %c0_i32_1 = arith.constant 0 : i32
    return %c0_i32, %c0_i32_0 : i32, i32
  }
  func.func @transform_8(%arg0: i32) -> (i32, i32) {
    %c0_i32 = arith.constant 0 : i32
    %c0_i32_0 = arith.constant 0 : i32
    %c0_i32_1 = arith.constant 0 : i32
    return %c0_i32, %c0_i32_0 : i32, i32
  }
  func.func @transform_9(%arg0: i32) -> (i32, i32) {
    %c0_i32 = arith.constant 0 : i32
    %c0_i32_0 = arith.constant 0 : i32
    return %arg0, %c0_i32 : i32, i32
  }
  func.func @transform_10(%arg0: i32) -> (i32, i32) {
    %c0_i32 = arith.constant 0 : i32
    %c0_i32_0 = arith.constant 0 : i32
    return %arg0, %c0_i32 : i32, i32
  }
}

module attributes {stable_mosaic.version = 14 : i64} {
  func.func @_head_body(%arg0: i32, %arg1: memref<1000x128xf32, #tpu.memory_space<vmem>>, %arg2: memref<1000x128xf32, #tpu.memory_space<vmem>>, %arg3: memref<1x1000x128xf32, #tpu.memory_space<vmem>>, %arg4: memref<1x1000x128xf32, #tpu.memory_space<vmem>>, %arg5: memref<1000x128xf32, #tpu.memory_space<vmem>>, %arg6: memref<1000x128xf32, #tpu.memory_space<vmem>>, %arg7: memref<1000x64xf32, #tpu.memory_space<vmem>>, %arg8: memref<256x256xf32, #tpu.memory_space<vmem>>, %arg9: memref<256x256xf32, #tpu.memory_space<vmem>>, %arg10: memref<1x256xf32, #tpu.memory_space<vmem>>, %arg11: memref<64x64xf32, #tpu.memory_space<vmem>>, %arg12: memref<1x64xf32, #tpu.memory_space<vmem>>, %arg13: memref<256x10xf32, #tpu.memory_space<vmem>>, %arg14: memref<64x10xf32, #tpu.memory_space<vmem>>, %arg15: memref<1x10xf32, #tpu.memory_space<vmem>>, %arg16: memref<1000x10xf32, #tpu.memory_space<vmem>>) attributes {dimension_semantics = [#tpu.dimension_semantics<arbitrary>], iteration_bounds = array<i64: 10>, scalar_prefetch = 0 : i64, scratch_operands = 0 : i64, tpu.core_type = #tpu.core_type<tc>, window_params = [{transform_indices = @transform_0, window_bounds = array<i64: 1000, 128>}, {transform_indices = @transform_1, window_bounds = array<i64: 1000, 128>}, {transform_indices = @transform_2, window_bounds = array<i64: 1, 1000, 128>}, {transform_indices = @transform_3, window_bounds = array<i64: 1, 1000, 128>}, {transform_indices = @transform_4, window_bounds = array<i64: 1000, 128>}, {transform_indices = @transform_5, window_bounds = array<i64: 1000, 128>}, {transform_indices = @transform_6, window_bounds = array<i64: 1000, 64>}, {pipeline_mode = #tpu.pipeline_mode<synchronous>, transform_indices = @transform_7, window_bounds = array<i64: 256, 256>}, {pipeline_mode = #tpu.pipeline_mode<synchronous>, transform_indices = @transform_8, window_bounds = array<i64: 256, 256>}, {pipeline_mode = #tpu.pipeline_mode<synchronous>, transform_indices = @transform_9, window_bounds = array<i64: 1, 256>}, {pipeline_mode = #tpu.pipeline_mode<synchronous>, transform_indices = @transform_10, window_bounds = array<i64: 64, 64>}, {pipeline_mode = #tpu.pipeline_mode<synchronous>, transform_indices = @transform_11, window_bounds = array<i64: 1, 64>}, {pipeline_mode = #tpu.pipeline_mode<synchronous>, transform_indices = @transform_12, window_bounds = array<i64: 256, 10>}, {pipeline_mode = #tpu.pipeline_mode<synchronous>, transform_indices = @transform_13, window_bounds = array<i64: 64, 10>}, {pipeline_mode = #tpu.pipeline_mode<synchronous>, transform_indices = @transform_14, window_bounds = array<i64: 1, 10>}, {transform_indices = @transform_15, window_bounds = array<i64: 1000, 10>}]} {
    %get3A = arith.constant 0 : index
    %get3A_0 = arith.constant 0 : index
    %get3A_1 = vector.load %arg13[%get3A, %get3A_0] : memref<256x10xf32, #tpu.memory_space<vmem>>, vector<256x10xf32>
    %get3A_2 = arith.constant 0 : index
    %get3A_3 = arith.constant 0 : index
    %get3A_4 = vector.load %arg8[%get3A_2, %get3A_3] : memref<256x256xf32, #tpu.memory_space<vmem>>, vector<256x256xf32>
    %dot_general3A = arith.constant dense<0.000000e+00> : vector<256x10xf32>
    %dot_general3A_5 = tpu.matmul %get3A_4, %get3A_1, %dot_general3A {dimension_numbers = #tpu.dot_dimension_numbers<[1], [0], [0], [1], [0, 0, 1, 1], [], []>, transpose_lhs_hint = false} : vector<256x256xf32>, vector<256x10xf32>, vector<256x10xf32> -> vector<256x10xf32>
    %get3A_6 = arith.constant 0 : index
    %get3A_7 = arith.constant 0 : index
    %get3A_8 = vector.load %arg9[%get3A_6, %get3A_7] : memref<256x256xf32, #tpu.memory_space<vmem>>, vector<256x256xf32>
    %dot_general3A_9 = arith.constant dense<0.000000e+00> : vector<256x10xf32>
    %dot_general3A_10 = tpu.matmul %get3A_8, %get3A_1, %dot_general3A_9 {dimension_numbers = #tpu.dot_dimension_numbers<[1], [0], [0], [1], [0, 0, 1, 1], [], []>, transpose_lhs_hint = false} : vector<256x256xf32>, vector<256x10xf32>, vector<256x10xf32> -> vector<256x10xf32>
    %get3A_11 = arith.constant 0 : index
    %get3A_12 = arith.constant 0 : index
    %get3A_13 = vector.load %arg11[%get3A_11, %get3A_12] : memref<64x64xf32, #tpu.memory_space<vmem>>, vector<64x64xf32>
    %get3A_14 = arith.constant 0 : index
    %get3A_15 = arith.constant 0 : index
    %get3A_16 = vector.load %arg14[%get3A_14, %get3A_15] : memref<64x10xf32, #tpu.memory_space<vmem>>, vector<64x10xf32>
    %dot_general3A_17 = arith.constant dense<0.000000e+00> : vector<64x10xf32>
    %dot_general3A_18 = tpu.matmul %get3A_13, %get3A_16, %dot_general3A_17 {dimension_numbers = #tpu.dot_dimension_numbers<[1], [0], [0], [1], [0, 0, 1, 1], [], []>, transpose_lhs_hint = false} : vector<64x64xf32>, vector<64x10xf32>, vector<64x10xf32> -> vector<64x10xf32>
    %get3A_19 = arith.constant 0 : index
    %get3A_20 = arith.constant 0 : index
    %get3A_21 = vector.load %arg10[%get3A_19, %get3A_20] : memref<1x256xf32, #tpu.memory_space<vmem>>, vector<1x256xf32>
    %dot_general3A_22 = arith.constant dense<0.000000e+00> : vector<1x10xf32>
    %dot_general3A_23 = tpu.matmul %get3A_21, %get3A_1, %dot_general3A_22 {dimension_numbers = #tpu.dot_dimension_numbers<[1], [0], [0], [1], [0, 0, 1, 1], [], []>, transpose_lhs_hint = false} : vector<1x256xf32>, vector<256x10xf32>, vector<1x10xf32> -> vector<1x10xf32>
    %get3A_24 = arith.constant 0 : index
    %get3A_25 = arith.constant 0 : index
    %get3A_26 = vector.load %arg12[%get3A_24, %get3A_25] : memref<1x64xf32, #tpu.memory_space<vmem>>, vector<1x64xf32>
    %get3A_27 = arith.constant 0 : index
    %get3A_28 = arith.constant 0 : index
    %get3A_29 = vector.load %arg14[%get3A_27, %get3A_28] : memref<64x10xf32, #tpu.memory_space<vmem>>, vector<64x10xf32>
    %dot_general3A_30 = arith.constant dense<0.000000e+00> : vector<1x10xf32>
    %dot_general3A_31 = tpu.matmul %get3A_26, %get3A_29, %dot_general3A_30 {dimension_numbers = #tpu.dot_dimension_numbers<[1], [0], [0], [1], [0, 0, 1, 1], [], []>, transpose_lhs_hint = false} : vector<1x64xf32>, vector<64x10xf32>, vector<1x10xf32> -> vector<1x10xf32>
    %add3A = arith.addf %dot_general3A_23, %dot_general3A_31 : vector<1x10xf32>
    %get3A_32 = arith.constant 0 : index
    %get3A_33 = arith.constant 0 : index
    %get3A_34 = vector.load %arg15[%get3A_32, %get3A_33] : memref<1x10xf32, #tpu.memory_space<vmem>>, vector<1x10xf32>
    %add3A_35 = arith.addf %add3A, %get3A_34 : vector<1x10xf32>
    %get3A_36 = arith.constant 0 : index
    %get3A_37 = arith.constant 0 : index
    %get3A_38 = arith.constant 0 : index
    %get3A_39 = vector.load %arg3[%get3A_36, %get3A_37, %get3A_38] : memref<1x1000x128xf32, #tpu.memory_space<vmem>>, vector<1x1000x128xf32>
    %get3A_40 = vector.shape_cast %get3A_39 : vector<1x1000x128xf32> to vector<1000x128xf32>
    %slice3A = vector.extract_strided_slice %get3A_40 {offsets = [0, 0], sizes = [1000, 1], strides = [1, 1]} : vector<1000x128xf32> to vector<1000x1xf32>
    %get3A_41 = arith.constant 0 : index
    %get3A_42 = arith.constant 0 : index
    %get3A_43 = arith.constant 0 : index
    %get3A_44 = vector.load %arg4[%get3A_41, %get3A_42, %get3A_43] : memref<1x1000x128xf32, #tpu.memory_space<vmem>>, vector<1x1000x128xf32>
    %get3A_45 = vector.shape_cast %get3A_44 : vector<1x1000x128xf32> to vector<1000x128xf32>
    %slice3A_46 = vector.extract_strided_slice %get3A_45 {offsets = [0, 0], sizes = [1000, 1], strides = [1, 1]} : vector<1000x128xf32> to vector<1000x1xf32>
    %add3A_47 = arith.addf %slice3A, %slice3A_46 : vector<1000x1xf32>
    %max3A = arith.constant 1.000000e+00 : f32
    %max3A_48 = vector.broadcast %max3A : f32 to vector<1000x1xf32>
    %max3A_49 = arith.maximumf %add3A_47, %max3A_48 : vector<1000x1xf32>
    %div3A = arith.constant 1.000000e+00 : f32
    %div3A_50 = vector.broadcast %div3A : f32 to vector<1000x1xf32>
    %div3A_51 = arith.divf %div3A_50, %max3A_49 : vector<1000x1xf32>
    %get3A_52 = arith.constant 0 : index
    %get3A_53 = arith.constant 0 : index
    %get3A_54 = vector.load %arg1[%get3A_52, %get3A_53] : memref<1000x128xf32, #tpu.memory_space<vmem>>, vector<1000x128xf32>
    %mul3A = vector.broadcast %div3A_51 : vector<1000x1xf32> to vector<1000x128xf32>
    %mul3A_55 = arith.mulf %get3A_54, %mul3A : vector<1000x128xf32>
    %slice3A_56 = vector.extract_strided_slice %dot_general3A_5 {offsets = [0, 0], sizes = [128, 10], strides = [1, 1]} : vector<256x10xf32> to vector<128x10xf32>
    %dot_general3A_57 = arith.constant dense<0.000000e+00> : vector<1000x10xf32>
    %dot_general3A_58 = tpu.matmul %mul3A_55, %slice3A_56, %dot_general3A_57 {dimension_numbers = #tpu.dot_dimension_numbers<[1], [0], [0], [1], [0, 0, 1, 1], [], []>, transpose_lhs_hint = false} : vector<1000x128xf32>, vector<128x10xf32>, vector<1000x10xf32> -> vector<1000x10xf32>
    %get3A_59 = arith.constant 0 : index
    %get3A_60 = arith.constant 0 : index
    %get3A_61 = vector.load %arg2[%get3A_59, %get3A_60] : memref<1000x128xf32, #tpu.memory_space<vmem>>, vector<1000x128xf32>
    %mul3A_62 = vector.broadcast %div3A_51 : vector<1000x1xf32> to vector<1000x128xf32>
    %mul3A_63 = arith.mulf %get3A_61, %mul3A_62 : vector<1000x128xf32>
    %slice3A_64 = vector.extract_strided_slice %dot_general3A_5 {offsets = [128, 0], sizes = [128, 10], strides = [1, 1]} : vector<256x10xf32> to vector<128x10xf32>
    %dot_general3A_65 = arith.constant dense<0.000000e+00> : vector<1000x10xf32>
    %dot_general3A_66 = tpu.matmul %mul3A_63, %slice3A_64, %dot_general3A_65 {dimension_numbers = #tpu.dot_dimension_numbers<[1], [0], [0], [1], [0, 0, 1, 1], [], []>, transpose_lhs_hint = false} : vector<1000x128xf32>, vector<128x10xf32>, vector<1000x10xf32> -> vector<1000x10xf32>
    %add3A_67 = arith.addf %dot_general3A_58, %dot_general3A_66 : vector<1000x10xf32>
    %get3A_68 = arith.constant 0 : index
    %get3A_69 = arith.constant 0 : index
    %get3A_70 = vector.load %arg5[%get3A_68, %get3A_69] : memref<1000x128xf32, #tpu.memory_space<vmem>>, vector<1000x128xf32>
    %slice3A_71 = vector.extract_strided_slice %dot_general3A_10 {offsets = [0, 0], sizes = [128, 10], strides = [1, 1]} : vector<256x10xf32> to vector<128x10xf32>
    %dot_general3A_72 = arith.constant dense<0.000000e+00> : vector<1000x10xf32>
    %dot_general3A_73 = tpu.matmul %get3A_70, %slice3A_71, %dot_general3A_72 {dimension_numbers = #tpu.dot_dimension_numbers<[1], [0], [0], [1], [0, 0, 1, 1], [], []>, transpose_lhs_hint = false} : vector<1000x128xf32>, vector<128x10xf32>, vector<1000x10xf32> -> vector<1000x10xf32>
    %add3A_74 = arith.addf %add3A_67, %dot_general3A_73 : vector<1000x10xf32>
    %get3A_75 = arith.constant 0 : index
    %get3A_76 = arith.constant 0 : index
    %get3A_77 = vector.load %arg6[%get3A_75, %get3A_76] : memref<1000x128xf32, #tpu.memory_space<vmem>>, vector<1000x128xf32>
    %slice3A_78 = vector.extract_strided_slice %dot_general3A_10 {offsets = [128, 0], sizes = [128, 10], strides = [1, 1]} : vector<256x10xf32> to vector<128x10xf32>
    %dot_general3A_79 = arith.constant dense<0.000000e+00> : vector<1000x10xf32>
    %dot_general3A_80 = tpu.matmul %get3A_77, %slice3A_78, %dot_general3A_79 {dimension_numbers = #tpu.dot_dimension_numbers<[1], [0], [0], [1], [0, 0, 1, 1], [], []>, transpose_lhs_hint = false} : vector<1000x128xf32>, vector<128x10xf32>, vector<1000x10xf32> -> vector<1000x10xf32>
    %add3A_81 = arith.addf %add3A_74, %dot_general3A_80 : vector<1000x10xf32>
    %get3A_82 = arith.constant 0 : index
    %get3A_83 = arith.constant 0 : index
    %get3A_84 = vector.load %arg7[%get3A_82, %get3A_83] : memref<1000x64xf32, #tpu.memory_space<vmem>>, vector<1000x64xf32>
    %dot_general3A_85 = arith.constant dense<0.000000e+00> : vector<1000x10xf32>
    %dot_general3A_86 = tpu.matmul %get3A_84, %dot_general3A_18, %dot_general3A_85 {dimension_numbers = #tpu.dot_dimension_numbers<[1], [0], [0], [1], [0, 0, 1, 1], [], []>, transpose_lhs_hint = false} : vector<1000x64xf32>, vector<64x10xf32>, vector<1000x10xf32> -> vector<1000x10xf32>
    %add3A_87 = arith.addf %add3A_81, %dot_general3A_86 : vector<1000x10xf32>
    %add3A_88 = vector.broadcast %add3A_35 : vector<1x10xf32> to vector<1000x10xf32>
    %add3A_89 = arith.addf %add3A_87, %add3A_88 : vector<1000x10xf32>
    %swap3A = arith.constant 0 : index
    %swap3A_90 = arith.constant 0 : index
    %swap3A_91 = vector.load %arg16[%swap3A, %swap3A_90] : memref<1000x10xf32, #tpu.memory_space<vmem>>, vector<1000x10xf32>
    tpu.vector_store %arg16[%swap3A, %swap3A_90], %add3A_89 {strides = array<i32>} : memref<1000x10xf32, #tpu.memory_space<vmem>>, vector<1000x10xf32>,
    return
  }
  func.func @transform_0(%arg0: i32) -> (i32, i32) {
    %c0_i32 = arith.constant 0 : i32
    %c0_i32_0 = arith.constant 0 : i32
    return %arg0, %c0_i32 : i32, i32
  }
  func.func @transform_1(%arg0: i32) -> (i32, i32) {
    %c0_i32 = arith.constant 0 : i32
    %c0_i32_0 = arith.constant 0 : i32
    return %arg0, %c0_i32 : i32, i32
  }
  func.func @transform_2(%arg0: i32) -> (i32, i32, i32) {
    %c0_i32 = arith.constant 0 : i32
    %c0_i32_0 = arith.constant 0 : i32
    %c0_i32_1 = arith.constant 0 : i32
    return %c0_i32, %arg0, %c0_i32_0 : i32, i32, i32
  }
  func.func @transform_3(%arg0: i32) -> (i32, i32, i32) {
    %c1_i32 = arith.constant 1 : i32
    %c0_i32 = arith.constant 0 : i32
    %c0_i32_0 = arith.constant 0 : i32
    return %c1_i32, %arg0, %c0_i32 : i32, i32, i32
  }
  func.func @transform_4(%arg0: i32) -> (i32, i32) {
    %c0_i32 = arith.constant 0 : i32
    %c0_i32_0 = arith.constant 0 : i32
    return %arg0, %c0_i32 : i32, i32
  }
  func.func @transform_5(%arg0: i32) -> (i32, i32) {
    %c0_i32 = arith.constant 0 : i32
    %c0_i32_0 = arith.constant 0 : i32
    return %arg0, %c0_i32 : i32, i32
  }
  func.func @transform_6(%arg0: i32) -> (i32, i32) {
    %c0_i32 = arith.constant 0 : i32
    %c0_i32_0 = arith.constant 0 : i32
    return %arg0, %c0_i32 : i32, i32
  }
  func.func @transform_7(%arg0: i32) -> (i32, i32) {
    %c0_i32 = arith.constant 0 : i32
    %c0_i32_0 = arith.constant 0 : i32
    %c0_i32_1 = arith.constant 0 : i32
    return %c0_i32, %c0_i32_0 : i32, i32
  }
  func.func @transform_8(%arg0: i32) -> (i32, i32) {
    %c0_i32 = arith.constant 0 : i32
    %c0_i32_0 = arith.constant 0 : i32
    %c0_i32_1 = arith.constant 0 : i32
    return %c0_i32, %c0_i32_0 : i32, i32
  }
  func.func @transform_9(%arg0: i32) -> (i32, i32) {
    %c0_i32 = arith.constant 0 : i32
    %c0_i32_0 = arith.constant 0 : i32
    %c0_i32_1 = arith.constant 0 : i32
    return %c0_i32, %c0_i32_0 : i32, i32
  }
  func.func @transform_10(%arg0: i32) -> (i32, i32) {
    %c0_i32 = arith.constant 0 : i32
    %c0_i32_0 = arith.constant 0 : i32
    %c0_i32_1 = arith.constant 0 : i32
    return %c0_i32, %c0_i32_0 : i32, i32
  }
  func.func @transform_11(%arg0: i32) -> (i32, i32) {
    %c0_i32 = arith.constant 0 : i32
    %c0_i32_0 = arith.constant 0 : i32
    %c0_i32_1 = arith.constant 0 : i32
    return %c0_i32, %c0_i32_0 : i32, i32
  }
  func.func @transform_12(%arg0: i32) -> (i32, i32) {
    %c0_i32 = arith.constant 0 : i32
    %c0_i32_0 = arith.constant 0 : i32
    %c0_i32_1 = arith.constant 0 : i32
    return %c0_i32, %c0_i32_0 : i32, i32
  }
  func.func @transform_13(%arg0: i32) -> (i32, i32) {
    %c0_i32 = arith.constant 0 : i32
    %c0_i32_0 = arith.constant 0 : i32
    %c0_i32_1 = arith.constant 0 : i32
    return %c0_i32, %c0_i32_0 : i32, i32
  }
  func.func @transform_14(%arg0: i32) -> (i32, i32) {
    %c0_i32 = arith.constant 0 : i32
    %c0_i32_0 = arith.constant 0 : i32
    %c0_i32_1 = arith.constant 0 : i32
    return %c0_i32, %c0_i32_0 : i32, i32
  }
  func.func @transform_15(%arg0: i32) -> (i32, i32) {
    %c0_i32 = arith.constant 0 : i32
    %c0_i32_0 = arith.constant 0 : i32
    return %arg0, %c0_i32 : i32, i32
  }
}

</mosaic_0001>

<sc_bundles>
// kernel: kernel.11.cloned.1.call-start
scs
__scs_entry_jumppad:
0x0: {  	(pc) =	sbr.rel $0x88, $3  }
0x1: {  	(tag) =	ssettag $0x0;
	lr =	simm.s32 $0x1  }
0x2: {  	[smem:$0x3F93] =	sst lr;
	_ =	strace $0xD0000000  }
0x3: {  	_ = 	snop  }
0x4: {  	_ = 	snop  }
0x5: {  	_ = 	snop  }
0x6: {  	_ = 	snop  }
0x7: {  	_ = 	snop  }
__scs_overlays_trampoline_lowered:
0x8: {  	[smem:$0x3FA2] =	sst s0  }
0x9: {  	[smem:$0x3FA3] =	sst s1  }
0xa: {  	[smem:$0x3FA4] =	sst s2  }
0xb: {  	[smem:$0x3FA5] =	sst s3  }
0xc: {  	[smem:$0x3FA6] =	sst s4  }
0xd: {  	[smem:$0x3FA7] =	sst s5  }
0xe: {  	[smem:$0x3FA8] =	sst s6  }
0xf: {  	[smem:$0x3FA9] =	sst s7  }
0x10: {  	[smem:$0x3FAA] =	sst s8  }
0x11: {  	[smem:$0x3FAB] =	sst s9;
	s0 =	simm.s32 @!p0 $0x0  }
0x12: {  	s1 =	sld [smem:$0x3F91];
	s0 =	simm.s32 @p0 $0x1  }
0x13: {  	[smem:$0x3FAC] =	sst s0;
	s0 =	simm.s32 @!p1 $0x0  }
0x14: {  	s2 =	sld [smem:$0x3F90];
	s0 =	simm.s32 @p1 $0x1  }
0x15: {  	[smem:$0x3FAD] =	sst s0;
	s0 =	simm.s32 @!p2 $0x0  }
0x16: {  	s3 =	sld [smem:$0x3FDB];
	s0 =	simm.s32 @p2 $0x1  }
0x17: {  	s4 =	simm.s32 $0x1BF5;
	[smem:$0x3FAF] =	sst s0  }
0x18: {  	s0 =	sld [smem:$0x3F92];
	_ =	swait.ge [sflag:s4], $0x0  }
0x19: {  	s7 =	sld [smem:$0x3F93]  }
0x1a: {  	s8 =	sadd.s32 $0xFFFFE003, lr  }
0x1b: {  	s9 =	sadd.s32 $0xFFFFFEF7, lr;
	s5 =	simm.s32 $0xFFFFFFFF;
	p2 =	slt.u32 s8, $0xFFFFF086  }
0x1c: {  	p1 =	slt.u32 s9, $0xF7A;
	s5 =	simm.s32 @!p2 $0x0  }
0x1d: {  	s5 =	simm.s32 @p1 $0x1;
	p0 =	seq.s32 s7, s2  }
0x1e: {  	s7 =	smul.u32 @!p0 $0xF7A, s2;
	p2 =	seq.s32 @!p0 s5, $0x0  }
0x1f: {  	s9 =	smul.u32 $0xF7A, s1;
	s8 =	simm.s32 @!p0 $0x1BF5;
	p2 =	por !p2, p0  }
0x20: {  	[sflag:s8] =	ssyncset.s32 @!p0 $0xFFFFF086;
	s6 =	sadd.s32 @!p0 s3, s7;
	s7 =	simm.s32 @!p0 $0x108  }
0x21: {  	s3 =	sadd.s32 s3, s9;
	s6 =	sadd.s32 @!p0 $0x88, s6;
	s7 =	simm.s32 @p2 $0x1082  }
0x22: {  	[simem:s7], [sflag:s8] =	dma.local @!p0 [hbm:s6], $0xF7A  }
0x23: {  	s9 =	sor.u32 $0xD0000000, s2;
	s6 =	simm.s32 $0x108;
	_ =	swait.ge @!p0 [sflag:s8], $0x0  }
0x24: {  	s3 =	sadd.s32 $0x88, s3;
	s6 =	simm.s32 @!p1 $0x1082;
	[sflag:s4] =	ssyncset.s32 $0xFFFFF086  }
0x25: {  	[simem:s6], [sflag:s4] =	dma.local [hbm:s3], $0xF7A  }
0x26: {  	[smem:$0x3F93] =	sst s1;
	(tag) =	ssettag s2;
	_ =	strace s9  }
0x27: {  	s1 =	sld [smem:$0x3FA3]  }
0x28: {  	s2 =	sld [smem:$0x3FA4]  }
0x29: {  	s4 =	sld [smem:$0x3FA6]  }
0x2a: {  	p0 =	seq.s32 s5, $0x0;
	s5 =	sld [smem:$0x3FA7]  }
0x2b: {  	s6 =	sld [smem:$0x3FA8]  }
0x2c: {  	s7 =	sld [smem:$0x3FA9]  }
0x2d: {  	s3 =	simm.s32 $0x108;
	s8 =	sld [smem:$0x3FAA]  }
0x2e: {  	s3 =	simm.s32 @!p0 $0x1082;
	s9 =	sld [smem:$0x3FAB]  }
0x2f: {  	lr =	sadd.s32 s0, s3;
	s0 =	sld [smem:$0x3FA2]  }
0x30: {  	s3 =	sld [smem:$0x3FA5]  }
0x31: {  	[smem:$0x3FAE] =	sst s10  }
0x32: {  	s10 =	sld [smem:$0x3FAC];
	_ =	sdelay $0x3  }
0x33: {  	p0 =	seq.s32 s10, $0x1;
	s10 =	sld [smem:$0x3FAE];
	_ =	sdelay $0x3  }
0x34: {  	[smem:$0x3FAE] =	sst s10  }
0x35: {  	s10 =	sld [smem:$0x3FAD];
	_ =	sdelay $0x3  }
0x36: {  	p1 =	seq.s32 s10, $0x1;
	s10 =	sld [smem:$0x3FAE];
	_ =	sdelay $0x3  }
0x37: {  	[smem:$0x3FAE] =	sst s10  }
0x38: {  	s10 =	sld [smem:$0x3FAF]  }
0x39: {  	_ = 	snop;
	(pc) =	sbr.ind lr, $3  }
0x3a: {  	_ = 	snop  }
0x3b: {  	_ = 	snop  }
0x3c: {  	p2 =	seq.s32 s10, $0x1;
	s10 =	sld [smem:$0x3FAE]  }
0x3d: {  	_ =	shalt  }
0x3e: {  	_ =	shalt  }
0x3f: {  	_ =	shalt  }
0x40: {  	_ =	shalt  }
0x41: {  	_ =	shalt  }
0x42: {  	_ =	shalt  }
0x43: {  	_ =	shalt  }
0x44: {  	_ =	shalt  }
0x45: {  	_ =	shalt  }
0x46: {  	_ =	shalt  }
0x47: {  	_ =	shalt  }
0x48: {  	_ =	shalt  }
0x49: {  	_ =	shalt  }
0x4a: {  	_ =	shalt  }
0x4b: {  	_ =	shalt  }
0x4c: {  	_ =	shalt  }
0x4d: {  	_ =	shalt  }
0x4e: {  	_ =	shalt  }
0x4f: {  	_ =	shalt  }
0x50: {  	_ =	shalt  }
0x51: {  	_ =	shalt  }
0x52: {  	_ =	shalt  }
0x53: {  	_ =	shalt  }
0x54: {  	_ =	shalt  }
0x55: {  	_ =	shalt  }
0x56: {  	_ =	shalt  }
0x57: {  	_ =	shalt  }
0x58: {  	_ =	shalt  }
0x59: {  	_ =	shalt  }
0x5a: {  	_ =	shalt  }
0x5b: {  	_ =	shalt  }
0x5c: {  	_ =	shalt  }
0x5d: {  	_ =	shalt  }
0x5e: {  	_ =	shalt  }
0x5f: {  	_ =	shalt  }
0x60: {  	_ =	shalt  }
0x61: {  	_ =	shalt  }
0x62: {  	_ =	shalt  }
0x63: {  	_ =	shalt  }
0x64: {  	_ =	shalt  }
0x65: {  	_ =	shalt  }
0x66: {  	_ =	shalt  }
0x67: {  	_ =	shalt  }
0x68: {  	_ =	shalt  }
0x69: {  	_ =	shalt  }
0x6a: {  	_ =	shalt  }
0x6b: {  	_ =	shalt  }
0x6c: {  	_ =	shalt  }
0x6d: {  	_ =	shalt  }
0x6e: {  	_ =	shalt  }
0x6f: {  	_ =	shalt  }
0x70: {  	_ =	shalt  }
0x71: {  	_ =	shalt  }
0x72: {  	_ =	shalt  }
0x73: {  	_ =	shalt  }
0x74: {  	_ =	shalt  }
0x75: {  	_ =	shalt  }
0x76: {  	_ =	shalt  }
0x77: {  	_ =	shalt  }
0x78: {  	_ =	shalt  }
0x79: {  	_ =	shalt  }
0x7a: {  	_ =	shalt  }
0x7b: {  	_ =	shalt  }
0x7c: {  	_ =	shalt  }
0x7d: {  	_ =	shalt  }
0x7e: {  	_ =	shalt  }
0x7f: {  	_ =	shalt  }
0x80: {  	_ =	shalt  }
0x81: {  	_ =	shalt  }
0x82: {  	_ =	shalt  }
0x83: {  	_ =	shalt  }
0x84: {  	_ =	shalt  }
0x85: {  	_ =	shalt  }
0x86: {  	_ =	shalt  }
0x87: {  	_ =	shalt  }
.Lfunc_end0:
.L_simem_size_0:
called_computation.1_lowered:
.L_overlay_start_0:
0x88: {  	s2 =	sld [smem:$0x3FD9]  }
0x89: {  	s3 =	sld [smem:$0x3FFE];
	_ =	sdelay $0x1  }
0x8a: {  	s1 =	srdreg.scid  }
0x8b: {  	s0 =	sand.u32 $0x1, s1  }
0x8c: {  	s16 =	sshll.u32 s0, $0xA;
	s2 =	sadd.s32 s3, s2  }
0x8d: {  	s2 =	sadd.s32 s2, s16  }
0x8e: {  	[smem:$0x3FBA] =	sst s2  }
0x8f: {  	_ = 	snop  }
0x90: {  	(tm) =	ssettm $0x1  }
0x91: {  	s17 =	sld [smem:$0x3FFB];
	_ =	sdelay $0x3  }
0x92: {  	_ =	strace s17  }
0x93: {  	s2 =	sld [smem:$0x3FFC];
	_ =	sdelay $0x3  }
0x94: {  	_ =	strace s2  }
0x95: {  	s2 =	sld [smem:$0x3FFD];
	_ =	sdelay $0x3  }
0x96: {  	_ =	strace s2  }
0x97: {  	_ =	strace $0x8FFFFFFF  }
0x98: {  	s18 =	sld [smem:$0x3FDB];
	_ =	sdelay $0x1  }
0x99: {  	s19 =	simm.s32 $_scs_section_size  }
0x9a: {  	s4 =	simm.s32 $_size__tile_overlayer_lowered;
	s5 =	simm.s32 $_tile_overlayer_lowered  }
0x9b: {  	s22 =	simm.s32 $0x1BFF;
	s21 =	sshll.u32 s5, $0x1;
	s2 =	sadd.s32 s19, s18  }
0x9c: {  	s6 =	simm.s32 $0x0;
	s20 =	sshll.u32 s4, $0x1;
	s4 =	sadd.s32 s21, s2  }
0x9d: {  	[timem:s6], [sflag:s22] =	dma.local [hbm:s4], s20  }
0x9e: {  	_ =	swait.ge [sflag:s22], s20  }
0x9f: {  	s3 =	ssub.s32 $0x0, s20;
	[sflag:s22] =	ssyncset.done $0x0  }
0xa0: {  	[sflag:s22] =	ssyncadd.s32 s3;
	_ =	sdelay $0x1  }
0xa1: {  	s23 =	simm.s32 $0x1B8B  }
0xa2: {  	_ =	swait.ge [sflag:s23], $0x1  }
0xa3: {  	[sflag:s23] =	ssyncset.done $0x0  }
0xa4: {  	s25 =	simm.s32 $0x1B8E;
	s24 =	sld [smem:$0x3FFE];
	[sflag:s23] =	ssyncadd.s32 $0xFFFFFFFF  }
0xa5: {  	s26 =	simm.s32 $execute0_lowered;
	[smem:$0x3FD2] =	sst s25  }
0xa6: {  	s4 =	sshll.u32 s26, $0x1;
	_ =	strace $0x80000046;
	[dreg:$0x1] =	wrdreg $0xFFFFFFFF  }
0xa7: {  	s28 =	simm.s32 $_size_execute0_lowered;
	s2 =	sadd.s32 s2, s4;
	[dreg:$0x0] =	wrdreg $0x0  }
0xa8: {  	s4 =	sshll.u32 s28, $0x1;
	[dreg:$0x2] =	wrdreg s2  }
0xa9: {  	[dreg:$0x3] =	wrdreg s4  }
0xaa: {  	[dreg:$0x4] =	wrdreg $0xC0  }
0xab: {  	_ =	task [dreg:s6], $0x5FFFF  }
0xac: {  	[dreg:$0x1] =	wrdreg $0xFFFFFFFF  }
0xad: {  	[dreg:$0x0] =	wrdreg $0x60  }
0xae: {  	[dreg:$0x2] =	wrdreg s24  }
0xaf: {  	[dreg:$0x3] =	wrdreg $0x90000  }
0xb0: {  	[dreg:$0x4] =	wrdreg $0xB  }
0xb1: {  	_ =	task.clear_ibuf [dreg:s6], $0x5FFFF;
	_ =	strace $0x90000046  }
0xb2: {  	s29 =	simm.s32 $0xB;
	_ =	strace $0x80000048  }
0xb3: {  	_ =	swait.ge [sflag:s29], $0x1  }
0xb4: {  	[sflag:s29] =	ssyncadd.s32 $0xFFFFFFFF  }
0xb5: {  	_ =	strace $0x90000048  }
0xb6: {  	_ =	sfence  }
0xb7: {  	s30 =	sld [smem:$0x0];
	_ =	sdelay $0x2  }
0xb8: {  	s31 =	sshll.u32 s1, $0xD;
	s1 =	sshrl.u32 s1, $0x2  }
0xb9: {  	s3 =	sand.u32 $0x4000, s31;
	s1 =	sadd.s32 s1, s30  }
0xba: {  	s0 =	sor.u32 s3, s0;
	s1 =	sshll.u32 s1, $0x11  }
0xbb: {  	s0 =	sor.u32 s1, s0  }
0xbc: {  	s0 =	sadd.s32 $0x8F2B, s0  }
0xbd: {  	[sflag:s0] =	ssyncadd.remote.s32 $0x1  }
0xbe: {  	_ =	sfence.sel $0xFFFF  }
0xbf: {  	[dreg:$0x0] =	wrdreg $0xFFFFFFFF;
	(pc) =	sbr.abs _section_cstart, $3  }
0xc0: {  	[dreg:$0x1] =	wrdreg $0xFFFFFFFF  }
0xc1: {  	_ =	task.clear_ibuf [dreg:s6], $0x2FFFF;
	_ =	strace $0x9FFFFFFF  }
0xc2: {  	(tm) =	ssettm $0x7FFFFFFF  }
0xc3: {  	_ =	shalt  }
tec
execute0_lowered:
.L_overlay_start_1:
0x0: {  	(tag) =	ssettag $0x1  }
0x1: {  	s6 =	rddreg [dreg:$0x0]  }
0x2: {  	s1 =	rddreg [dreg:$0x1]  }
0x3: {  	s0 =	rddreg [dreg:$0x2];
	s2 =	simm.s32 $0x0  }
0x4: {  	s13 =	stileid.u32;
	s3 =	srdreg.scid;
	s14 =	simm.s32 $0x5000  }
0x5: {  	s18 =	simm.s32 $0x0;
	[smem:$0x7FF] =	sst s2;
	s4 =	smul.u32 $0x500, s13  }
0x6: {  	s9 =	sand.u32 $0x1, s3;
	s3 =	sadd.s32 $0x30400, s6;
	s10 =	sadd.s32 $0x9200, s6  }
0x7: {  	s5 =	sadd.s32 $0x83800, s6;
	p0 =	seq.s32 s13, $0x0;
	_ =	strace $0x80000047  }
0x8: {  	s7 =	ssub.s32 $0x2, s9;
	p2 =	seq.s32 s9, $0x1;
	s12 =	sor.u32 s9, s13  }
0x9: {  	s8 =	sadd.s32 s4, s6;
	s4 =	sadd.s32 $0x5C600, s6;
	s11 =	sshrl.u32 s7, $0x1  }
0xa: {  	s6 =	sadd.s32 $0xAAA00, s6;
	p0 =	por !p0, !p2;
	s3 =	smov.u32 @p2 s10  }
0xb: {  	p2 =	sne.s32 s12, $0x0;
	s12 =	simm.s32 $0x2800;
	s11 =	ssub.s32 s7, s11  }
0xc: {  	s7 =	sadd.s32 $0x57600, s8;
	s8 =	sadd.s32 $0x4200, s8;
	p1 =	por !p0, !p0  }
0xd: {  	p0 =	sne.s32 s13, $0x0;
	s15 =	sshll.u32 @!p2 s13, $0x6;
	s13 =	simm.s32 $0x80  }
0xe: {  	s16 =	sshrl.u32 @!p2 s1, $0x3;
	s9 =	smax.u32 s11, $0x1;
	s10 =	sshrl.u32 @!p0 s1, $0x3  }
0xf: {  	s11 =	simm.s32 $0x1;
	s15 =	sor.u32 @!p2 $0x1C01, s15;
	s17 =	sshrl.u32 @p1 s1, $0x3  }
.LBB2_1:
0x10: {  	s19 =	simm.s32 @!p0 $0x1C01  }
0x11: {  	[spmem:s10], [sflag:s19] =	dma.local @!p0 [hbm:s4], $0x27180  }
0x12: {  	s19 =	simm.s32 @!p0 $0x1  }
0x13: {  	_ =	swait.ge @!p0 [sflag:s19], $0x27180  }
0x14: {  	[sflag:s19] =	ssyncset.done @!p0 $0x0  }
0x15: {  	[sflag:s19] =	ssyncadd.s32 @!p0 $0xFFFD8E80  }
0x16: {  	[tilespmem:s2], [sflag:$0x1] =	stream.linear.gather [hbm4b:s7+s2], $0x2780, $0x38;
	[tilespmem:$0x1C8C0] =	vst v63  }
0x17: {  	_ =	swait.ge [sflag:s11], $0x2780  }
0x18: {  	[sflag:s11] =	ssyncset.done $0x0  }
0x19: {  	[sflag:s11] =	ssyncadd.s32 $0xFFFFD880  }
0x1a: {  	[tilespmem:s12], [sflag:$0x1] =	stream.linear.gather [hbm4b:s8+s2], $0x2780, $0x38;
	[tilespmem:$0x1C8C0] =	vst v63  }
0x1b: {  	_ =	swait.ge [sflag:s11], $0x2780  }
0x1c: {  	[sflag:s11] =	ssyncset.done $0x0  }
0x1d: {  	[sflag:s11] =	ssyncadd.s32 $0xFFFFD880  }
0x1e: {  	s30 =	simm.s32 $0x0;
	[bflag:$0x0] =	sbarrier.arrive $0xFFFF  }
0x1f: {  	[tilespmem:s14], [sflag:$0x1] =	stream.indirect.gather [hbm4b:s3+s13], $0x80, s30, s13, $0xb8;
	[tilespmem:$0x1C8C0] =	vst v63  }
0x20: {  	_ =	swait.ge [sflag:s11], $0x4000  }
0x21: {  	[sflag:s11] =	ssyncset.done $0x0  }
0x22: {  	s31 =	simm.s32 $0x2800;
	[sflag:s11] =	ssyncadd.s32 $0xFFFFC000  }
0x23: {  	[spmem:s1] =	stream.indirect.scatter.add.f32 [tilespmem:s14], [sflag:$0x1], $0x80, s31, s13, $0xb8;
	[tilespmem:$0x1C8C0] =	vst v63  }
0x24: {  	_ =	swait.ge [sflag:s11], $0x4000  }
0x25: {  	s20 =	simm.s32 $0x400;
	s19 =	simm.s32 $0x200;
	[sflag:s11] =	ssyncset.done $0x0  }
.LBB2_2:
0x26: {  	s21 =	sshra.s32 s19, $0x2  }
0x27: {  	[sflag:s11] =	ssyncadd.s32 $0xFFFFC000;
	s19 =	smov.u32 s20;
	s22 =	sadd.s32 $0x200, s20  }
0x28: {  	[tilespmem:s14], [sflag:$0x1] =	stream.indirect.gather [hbm4b:s3+s13], $0x80, s21, s13, $0xb8;
	[tilespmem:$0x1C8C0] =	vst v63  }
0x29: {  	p3 =	sne.s32 s20, $0x9C00;
	_ =	swait.ge [sflag:s11], $0x4000  }
.Ltmp0:
0x2a: {  	[sflag:s11] =	ssyncset.done $0x0;
	(pc) =	sbr.rel @p3 .LBB2_2-.Ltmp0, $4  }
0x2b: {  	s20 =	sadd.s32 $0x2800, s21;
	[sflag:s11] =	ssyncadd.s32 $0xFFFFC000  }
0x2c: {  	[spmem:s1] =	stream.indirect.scatter.add.f32 [tilespmem:s14], [sflag:$0x1], $0x80, s20, s13, $0xb8;
	[tilespmem:$0x1C8C0] =	vst v63  }
0x2d: {  	_ =	swait.ge [sflag:s11], $0x4000  }
0x2e: {  	s20 =	smov.u32 s22;
	[sflag:s11] =	ssyncset.done $0x0  }
0x2f: {  	s19 =	sshra.s32 s19, $0x2;
	[sflag:s11] =	ssyncadd.s32 $0xFFFFC000  }
0x30: {  	[tilespmem:s14], [sflag:$0x1] =	stream.indirect.gather [hbm4b:s3+s13], $0x80, s19, s13, $0xb8;
	[tilespmem:$0x1C8C0] =	vst v63  }
0x31: {  	_ =	swait.ge [sflag:s11], $0x4000  }
0x32: {  	[sflag:s11] =	ssyncset.done $0x0  }
0x33: {  	s19 =	sadd.s32 $0x2800, s19;
	[sflag:s11] =	ssyncadd.s32 $0xFFFFC000  }
0x34: {  	[spmem:s1] =	stream.indirect.scatter.add.f32 [tilespmem:s14], [sflag:$0x1], $0x80, s19, s13, $0xb8;
	[tilespmem:$0x1C8C0] =	vst v63  }
0x35: {  	_ =	swait.ge [sflag:s11], $0x4000  }
0x36: {  	[sflag:s11] =	ssyncset.done $0x0  }
0x37: {  	[sflag:s11] =	ssyncadd.s32 $0xFFFFC000  }
0x38: {  	s19 =	simm.s32 @!p2 $0x1;
	[bflag:$0x0] =	sbarrier.arrive $0xFFFF  }
0x39: {  	[hbm:s5], [sflag:s15] =	dma.local @!p2 [spmem:s16], $0x27180  }
0x3a: {  	_ =	swait.ge @!p2 [sflag:s19], $0x27180  }
0x3b: {  	s18 =	sadd.s32 $0x1, s18;
	[sflag:s19] =	ssyncset.done @!p2 $0x0  }
0x3c: {  	p3 =	sne.s32 s18, s9;
	[sflag:s19] =	ssyncadd.s32 @!p2 $0xFFFD8E80;
	s19 =	simm.s32 @p1 $0x1C01  }
0x3d: {  	[hbm:s6], [sflag:s19] =	dma.local @p1 [spmem:s17], $0x27180  }
.Ltmp1:
0x3e: {  	_ = 	snop;
	(pc) =	sbr.rel @p3 .LBB2_1-.Ltmp1, $4  }
0x3f: {  	s19 =	simm.s32 @p1 $0x1  }
0x40: {  	_ =	swait.ge @p1 [sflag:s19], $0x27180  }
0x41: {  	[sflag:s19] =	ssyncset.done @p1 $0x0  }
0x42: {  	[sflag:s19] =	ssyncadd.s32 @p1 $0xFFFD8E80  }
0x43: {  	_ =	sfence.sel $0x180000  }
0x44: {  	[bflag:$0x0] =	sbarrier.arrive $0xFFFF  }
0x45: {  	_ =	strace $0x90000047  }
0x46: {  	s0 =	sadd.s32 @!p0 $0x100000, s0;
	[bflag:$0x2] =	sbarrier.arrive $0xFFFF  }
0x47: {  	[sflag:s0] =	ssyncadd.tile.s32 @!p0 $0x1;
	_ =	shalt  }
.Lfunc_end2:
_tile_overlayer_lowered:
.L_overlay_start_2:
0x48: {  	(tag) =	ssettag $0x2  }
0x49: {  	s0 =	rddreg [dreg:$0x0];
	s2 =	stileid.u32  }
0x4a: {  	s1 =	rddreg [dreg:$0x1];
	p0 =	sne.s32 s2, $0x0  }
0x4b: {  	s3 =	rddreg [dreg:$0x2];
	[bflag:$0x3] =	sbarrier.arrive $0xFFFF;
	s2 =	simm.s32 @!p0 $0x1C01  }
0x4c: {  	[timem:s3], [sflag:s2] =	dma.local @!p0 [hbm:s0], s1  }
0x4d: {  	s0 =	simm.s32 @!p0 $0x1  }
0x4e: {  	_ =	swait.ge @!p0 [sflag:s0], s1  }
0x4f: {  	s1 =	ssub.s32 @!p0 $0x0, s1;
	[sflag:s0] =	ssyncset.done @!p0 $0x0  }
0x50: {  	[sflag:s0] =	ssyncadd.s32 @!p0 s1  }
0x51: {  	[bflag:$0x3] =	sbarrier.arrive $0xFFFF  }
0x52: {  	_ =	shalt  }

// kernel: kernel.14.cloned.1.call-start
scs
__scs_entry_jumppad:
0x0: {  	(pc) =	sbr.rel $0x88, $3  }
0x1: {  	(tag) =	ssettag $0x0;
	lr =	simm.s32 $0x1  }
0x2: {  	[smem:$0x3F93] =	sst lr;
	_ =	strace $0xD0000000  }
0x3: {  	_ = 	snop  }
0x4: {  	_ = 	snop  }
0x5: {  	_ = 	snop  }
0x6: {  	_ = 	snop  }
0x7: {  	_ = 	snop  }
__scs_overlays_trampoline_lowered:
0x8: {  	[smem:$0x3FA2] =	sst s0  }
0x9: {  	[smem:$0x3FA3] =	sst s1  }
0xa: {  	[smem:$0x3FA4] =	sst s2  }
0xb: {  	[smem:$0x3FA5] =	sst s3  }
0xc: {  	[smem:$0x3FA6] =	sst s4  }
0xd: {  	[smem:$0x3FA7] =	sst s5  }
0xe: {  	[smem:$0x3FA8] =	sst s6  }
0xf: {  	[smem:$0x3FA9] =	sst s7  }
0x10: {  	[smem:$0x3FAA] =	sst s8  }
0x11: {  	[smem:$0x3FAB] =	sst s9;
	s0 =	simm.s32 @!p0 $0x0  }
0x12: {  	s1 =	sld [smem:$0x3F91];
	s0 =	simm.s32 @p0 $0x1  }
0x13: {  	[smem:$0x3FAC] =	sst s0;
	s0 =	simm.s32 @!p1 $0x0  }
0x14: {  	s2 =	sld [smem:$0x3F90];
	s0 =	simm.s32 @p1 $0x1  }
0x15: {  	[smem:$0x3FAD] =	sst s0;
	s0 =	simm.s32 @!p2 $0x0  }
0x16: {  	s3 =	sld [smem:$0x3FDB];
	s0 =	simm.s32 @p2 $0x1  }
0x17: {  	s4 =	simm.s32 $0x1BF5;
	[smem:$0x3FAF] =	sst s0  }
0x18: {  	s0 =	sld [smem:$0x3F92];
	_ =	swait.ge [sflag:s4], $0x0  }
0x19: {  	s7 =	sld [smem:$0x3F93]  }
0x1a: {  	s8 =	sadd.s32 $0xFFFFE003, lr  }
0x1b: {  	s9 =	sadd.s32 $0xFFFFFEF7, lr;
	s5 =	simm.s32 $0xFFFFFFFF;
	p2 =	slt.u32 s8, $0xFFFFF086  }
0x1c: {  	p1 =	slt.u32 s9, $0xF7A;
	s5 =	simm.s32 @!p2 $0x0  }
0x1d: {  	s5 =	simm.s32 @p1 $0x1;
	p0 =	seq.s32 s7, s2  }
0x1e: {  	s7 =	smul.u32 @!p0 $0xF7A, s2;
	p2 =	seq.s32 @!p0 s5, $0x0  }
0x1f: {  	s9 =	smul.u32 $0xF7A, s1;
	s8 =	simm.s32 @!p0 $0x1BF5;
	p2 =	por !p2, p0  }
0x20: {  	[sflag:s8] =	ssyncset.s32 @!p0 $0xFFFFF086;
	s6 =	sadd.s32 @!p0 s3, s7;
	s7 =	simm.s32 @!p0 $0x108  }
0x21: {  	s3 =	sadd.s32 s3, s9;
	s6 =	sadd.s32 @!p0 $0x88, s6;
	s7 =	simm.s32 @p2 $0x1082  }
0x22: {  	[simem:s7], [sflag:s8] =	dma.local @!p0 [hbm:s6], $0xF7A  }
0x23: {  	s9 =	sor.u32 $0xD0000000, s2;
	s6 =	simm.s32 $0x108;
	_ =	swait.ge @!p0 [sflag:s8], $0x0  }
0x24: {  	s3 =	sadd.s32 $0x88, s3;
	s6 =	simm.s32 @!p1 $0x1082;
	[sflag:s4] =	ssyncset.s32 $0xFFFFF086  }
0x25: {  	[simem:s6], [sflag:s4] =	dma.local [hbm:s3], $0xF7A  }
0x26: {  	[smem:$0x3F93] =	sst s1;
	(tag) =	ssettag s2;
	_ =	strace s9  }
0x27: {  	s1 =	sld [smem:$0x3FA3]  }
0x28: {  	s2 =	sld [smem:$0x3FA4]  }
0x29: {  	s4 =	sld [smem:$0x3FA6]  }
0x2a: {  	p0 =	seq.s32 s5, $0x0;
	s5 =	sld [smem:$0x3FA7]  }
0x2b: {  	s6 =	sld [smem:$0x3FA8]  }
0x2c: {  	s7 =	sld [smem:$0x3FA9]  }
0x2d: {  	s3 =	simm.s32 $0x108;
	s8 =	sld [smem:$0x3FAA]  }
0x2e: {  	s3 =	simm.s32 @!p0 $0x1082;
	s9 =	sld [smem:$0x3FAB]  }
0x2f: {  	lr =	sadd.s32 s0, s3;
	s0 =	sld [smem:$0x3FA2]  }
0x30: {  	s3 =	sld [smem:$0x3FA5]  }
0x31: {  	[smem:$0x3FAE] =	sst s10  }
0x32: {  	s10 =	sld [smem:$0x3FAC];
	_ =	sdelay $0x3  }
0x33: {  	p0 =	seq.s32 s10, $0x1;
	s10 =	sld [smem:$0x3FAE];
	_ =	sdelay $0x3  }
0x34: {  	[smem:$0x3FAE] =	sst s10  }
0x35: {  	s10 =	sld [smem:$0x3FAD];
	_ =	sdelay $0x3  }
0x36: {  	p1 =	seq.s32 s10, $0x1;
	s10 =	sld [smem:$0x3FAE];
	_ =	sdelay $0x3  }
0x37: {  	[smem:$0x3FAE] =	sst s10  }
0x38: {  	s10 =	sld [smem:$0x3FAF]  }
0x39: {  	_ = 	snop;
	(pc) =	sbr.ind lr, $3  }
0x3a: {  	_ = 	snop  }
0x3b: {  	_ = 	snop  }
0x3c: {  	p2 =	seq.s32 s10, $0x1;
	s10 =	sld [smem:$0x3FAE]  }
0x3d: {  	_ =	shalt  }
0x3e: {  	_ =	shalt  }
0x3f: {  	_ =	shalt  }
0x40: {  	_ =	shalt  }
0x41: {  	_ =	shalt  }
0x42: {  	_ =	shalt  }
0x43: {  	_ =	shalt  }
0x44: {  	_ =	shalt  }
0x45: {  	_ =	shalt  }
0x46: {  	_ =	shalt  }
0x47: {  	_ =	shalt  }
0x48: {  	_ =	shalt  }
0x49: {  	_ =	shalt  }
0x4a: {  	_ =	shalt  }
0x4b: {  	_ =	shalt  }
0x4c: {  	_ =	shalt  }
0x4d: {  	_ =	shalt  }
0x4e: {  	_ =	shalt  }
0x4f: {  	_ =	shalt  }
0x50: {  	_ =	shalt  }
0x51: {  	_ =	shalt  }
0x52: {  	_ =	shalt  }
0x53: {  	_ =	shalt  }
0x54: {  	_ =	shalt  }
0x55: {  	_ =	shalt  }
0x56: {  	_ =	shalt  }
0x57: {  	_ =	shalt  }
0x58: {  	_ =	shalt  }
0x59: {  	_ =	shalt  }
0x5a: {  	_ =	shalt  }
0x5b: {  	_ =	shalt  }
0x5c: {  	_ =	shalt  }
0x5d: {  	_ =	shalt  }
0x5e: {  	_ =	shalt  }
0x5f: {  	_ =	shalt  }
0x60: {  	_ =	shalt  }
0x61: {  	_ =	shalt  }
0x62: {  	_ =	shalt  }
0x63: {  	_ =	shalt  }
0x64: {  	_ =	shalt  }
0x65: {  	_ =	shalt  }
0x66: {  	_ =	shalt  }
0x67: {  	_ =	shalt  }
0x68: {  	_ =	shalt  }
0x69: {  	_ =	shalt  }
0x6a: {  	_ =	shalt  }
0x6b: {  	_ =	shalt  }
0x6c: {  	_ =	shalt  }
0x6d: {  	_ =	shalt  }
0x6e: {  	_ =	shalt  }
0x6f: {  	_ =	shalt  }
0x70: {  	_ =	shalt  }
0x71: {  	_ =	shalt  }
0x72: {  	_ =	shalt  }
0x73: {  	_ =	shalt  }
0x74: {  	_ =	shalt  }
0x75: {  	_ =	shalt  }
0x76: {  	_ =	shalt  }
0x77: {  	_ =	shalt  }
0x78: {  	_ =	shalt  }
0x79: {  	_ =	shalt  }
0x7a: {  	_ =	shalt  }
0x7b: {  	_ =	shalt  }
0x7c: {  	_ =	shalt  }
0x7d: {  	_ =	shalt  }
0x7e: {  	_ =	shalt  }
0x7f: {  	_ =	shalt  }
0x80: {  	_ =	shalt  }
0x81: {  	_ =	shalt  }
0x82: {  	_ =	shalt  }
0x83: {  	_ =	shalt  }
0x84: {  	_ =	shalt  }
0x85: {  	_ =	shalt  }
0x86: {  	_ =	shalt  }
0x87: {  	_ =	shalt  }
.Lfunc_end0:
.L_simem_size_0:
called_computation.2_lowered:
.L_overlay_start_0:
0x88: {  	s2 =	sld [smem:$0x3FD9]  }
0x89: {  	s3 =	sld [smem:$0x3FFE];
	_ =	sdelay $0x1  }
0x8a: {  	s1 =	srdreg.scid  }
0x8b: {  	s0 =	sand.u32 $0x1, s1  }
0x8c: {  	s17 =	sshll.u32 s0, $0xA;
	s2 =	sadd.s32 s3, s2  }
0x8d: {  	s2 =	sadd.s32 s2, s17  }
0x8e: {  	[smem:$0x3FBA] =	sst s2  }
0x8f: {  	_ = 	snop  }
0x90: {  	s18 =	sld [smem:$0x3FD0];
	(tm) =	ssettm $0x1  }
0x91: {  	s19 =	sld [smem:$0x3FFB];
	_ =	sdelay $0x3  }
0x92: {  	_ =	strace s19  }
0x93: {  	s2 =	sld [smem:$0x3FFC];
	_ =	sdelay $0x3  }
0x94: {  	_ =	strace s2  }
0x95: {  	s2 =	sld [smem:$0x3FFD];
	_ =	sdelay $0x3  }
0x96: {  	_ =	strace s2  }
0x97: {  	_ =	strace $0x8FFFFFFF  }
0x98: {  	s20 =	sld [smem:$0x3FDB];
	_ =	sdelay $0x1  }
0x99: {  	s4 =	simm.s32 $_scs_section_size  }
0x9a: {  	s5 =	simm.s32 $_size__tile_overlayer_lowered;
	s6 =	simm.s32 $_tile_overlayer_lowered  }
0x9b: {  	s7 =	simm.s32 $0x1BFF;
	s21 =	sshll.u32 s6, $0x1;
	s4 =	sadd.s32 s4, s20  }
0x9c: {  	s22 =	simm.s32 $0x0;
	s5 =	sshll.u32 s5, $0x1;
	s6 =	sadd.s32 s21, s4  }
0x9d: {  	[timem:s22], [sflag:s7] =	dma.local [hbm:s6], s5  }
0x9e: {  	_ =	swait.ge [sflag:s7], s5  }
0x9f: {  	s5 =	ssub.s32 $0x0, s5;
	[sflag:s7] =	ssyncset.done $0x0  }
0xa0: {  	[sflag:s7] =	ssyncadd.s32 s5;
	_ =	sdelay $0x1  }
0xa1: {  	s23 =	simm.s32 $0x1B8B  }
0xa2: {  	_ =	swait.ge [sflag:s23], $0x1  }
0xa3: {  	[sflag:s23] =	ssyncset.done $0x0  }
0xa4: {  	[sflag:s23] =	ssyncadd.s32 $0xFFFFFFFF  }
0xa5: {  	s5 =	sld [smem:$0x0]  }
0xa6: {  	s6 =	sand.u32 $0xFFFFFFFE, s1  }
0xa7: {  	p0 =	sne.s32 s1, s6  }
0xa8: {  	s6 =	sshll.u32 @p0 s6, $0xE  }
0xa9: {  	s6 =	sadd.s32 @p0 $0x11B8D, s6;
	s7 =	sshll.u32 @p0 s5, $0x11  }
0xaa: {  	s6 =	sor.u32 @p0 s7, s6  }
0xab: {  	[sflag:s6] =	ssyncadd.remote.s32 @p0 $0x1;
	_ =	sdelay $0x1  }
0xac: {  	s6 =	simm.s32 @p0 $0x1B8D  }
0xad: {  	_ =	swait.eq @p0 [sflag:s6], $0x1  }
0xae: {  	[sflag:s6] =	ssyncadd.s32 @p0 $0xFFFFFFFF  }
0xaf: {  	s7 =	sshll.u32 @!p0 s1, $0xE  }
0xb0: {  	s7 =	sor.u32 @!p0 $0x4000, s7;
	s6 =	simm.s32 @!p0 $0x1B8D  }
0xb1: {  	s5 =	sshll.u32 @!p0 s5, $0x11;
	s7 =	sadd.s32 @!p0 $0x11B8D, s7;
	_ =	swait.eq @!p0 [sflag:s6], $0x1  }
0xb2: {  	s5 =	sor.u32 @!p0 s5, s7;
	[sflag:s6] =	ssyncadd.s32 @!p0 $0xFFFFFFFF  }
0xb3: {  	s25 =	simm.s32 $0x1B8E;
	s24 =	sld [smem:$0x3FFE];
	[sflag:s5] =	ssyncadd.remote.s32 @!p0 $0x1  }
0xb4: {  	s26 =	simm.s32 $execute0_lowered;
	[smem:$0x3FD2] =	sst s25  }
0xb5: {  	s6 =	sshll.u32 s26, $0x1;
	_ =	strace $0x8000004C;
	[dreg:$0x1] =	wrdreg $0xFFFFFFFF  }
0xb6: {  	s28 =	simm.s32 $_size_execute0_lowered;
	s4 =	sadd.s32 s4, s6;
	[dreg:$0x0] =	wrdreg $0x0  }
0xb7: {  	s6 =	sshll.u32 s28, $0x1;
	[dreg:$0x2] =	wrdreg s4  }
0xb8: {  	[dreg:$0x3] =	wrdreg s6  }
0xb9: {  	[dreg:$0x4] =	wrdreg $0xC0  }
0xba: {  	_ =	task [dreg:s22], $0x5FFFF  }
0xbb: {  	[dreg:$0x1] =	wrdreg $0xFFFFFFFF  }
0xbc: {  	[dreg:$0x0] =	wrdreg $0x60  }
0xbd: {  	[dreg:$0x2] =	wrdreg s24  }
0xbe: {  	[dreg:$0x3] =	wrdreg s18  }
0xbf: {  	[dreg:$0x4] =	wrdreg $0x54000  }
0xc0: {  	[dreg:$0x5] =	wrdreg $0x9  }
0xc1: {  	_ =	task.clear_ibuf [dreg:s22], $0x6FFFF;
	_ =	strace $0x9000004C  }
0xc2: {  	s29 =	simm.s32 $0x9;
	_ =	strace $0x8000004E  }
0xc3: {  	_ =	swait.ge [sflag:s29], $0x1  }
0xc4: {  	[sflag:s29] =	ssyncadd.s32 $0xFFFFFFFF  }
0xc5: {  	_ =	strace $0x9000004E  }
0xc6: {  	_ =	sfence  }
0xc7: {  	s30 =	sld [smem:$0x0];
	_ =	sdelay $0x2  }
0xc8: {  	s31 =	sshll.u32 s1, $0xD;
	s1 =	sshrl.u32 s1, $0x2  }
0xc9: {  	s4 =	sand.u32 $0x4000, s31;
	s1 =	sadd.s32 s1, s30  }
0xca: {  	s0 =	sor.u32 s4, s0;
	s1 =	sshll.u32 s1, $0x11  }
0xcb: {  	s0 =	sor.u32 s1, s0  }
0xcc: {  	s0 =	sadd.s32 $0x8F2B, s0  }
0xcd: {  	[sflag:s0] =	ssyncadd.remote.s32 $0x1  }
0xce: {  	_ =	sfence.sel $0xFFFF  }
0xcf: {  	[dreg:$0x0] =	wrdreg $0xFFFFFFFF;
	(pc) =	sbr.abs _section_cstart, $3  }
0xd0: {  	[dreg:$0x1] =	wrdreg $0xFFFFFFFF  }
0xd1: {  	_ =	task.clear_ibuf [dreg:s22], $0x2FFFF;
	_ =	strace $0x9FFFFFFF  }
0xd2: {  	(tm) =	ssettm $0x7FFFFFFF  }
0xd3: {  	_ =	shalt  }
tec
execute0_lowered:
.L_overlay_start_1:
0x0: {  	(tag) =	ssettag $0x1  }
0x1: {  	s5 =	rddreg [dreg:$0x0]  }
0x2: {  	s0 =	srdreg.scid;
	s1 =	rddreg [dreg:$0x1]  }
0x3: {  	s7 =	stileid.u32;
	s2 =	rddreg [dreg:$0x2]  }
0x4: {  	s3 =	simm.s32 $0x0;
	s11 =	simm.s32 $0x80;
	s12 =	simm.s32 $0x0  }
0x5: {  	s4 =	sand.u32 $0x1, s0;
	[smem:$0x7FF] =	sst s3;
	p0 =	sne.s32 s7, $0x0  }
0x6: {  	s0 =	sshll.u32 s4, $0x4;
	s8 =	smul.u32 $0x27180, s4;
	s9 =	ssub.s32 $0x2, s4  }
0x7: {  	s4 =	sadd.s32 $0x5C600, s5;
	s6 =	sor.u32 s7, s0;
	s0 =	rddreg [dreg:$0x3]  }
0x8: {  	_ =	strace $0x8000004D;
	s10 =	sshrl.u32 s9, $0x1;
	s6 =	smul.u32 $0x280, s6  }
0x9: {  	s8 =	sadd.s32 s8, s5;
	s9 =	ssub.s32 s9, s10;
	s10 =	simm.s32 $0x1400  }
0xa: {  	s7 =	smax.u32 s9, $0x1;
	s9 =	simm.s32 $0x1;
	s6 =	sadd.s32 s6, s5  }
0xb: {  	s5 =	sadd.s32 $0x125000, s6;
	s6 =	sadd.s32 $0x12A000, s8;
	s8 =	sshrl.u32 @!p0 s2, $0x3  }
.LBB2_1:
0xc: {  	s13 =	simm.s32 @!p0 $0x1C01  }
0xd: {  	[spmem:s8], [sflag:s13] =	dma.local @!p0 [hbm:s4], $0x27180  }
0xe: {  	s13 =	simm.s32 @!p0 $0x1  }
0xf: {  	_ =	swait.ge @!p0 [sflag:s13], $0x27180  }
0x10: {  	[sflag:s13] =	ssyncset.done @!p0 $0x0  }
0x11: {  	[sflag:s13] =	ssyncadd.s32 @!p0 $0xFFFD8E80  }
0x12: {  	[tilespmem:s3], [sflag:$0x1] =	stream.linear.gather [hbm4b:s5+s3], $0x1400, $0x38;
	[tilespmem:$0x18CC0] =	vst v63  }
0x13: {  	_ =	swait.ge [sflag:s9], $0x1400  }
0x14: {  	[sflag:s9] =	ssyncset.done $0x0  }
0x15: {  	[sflag:s9] =	ssyncadd.s32 $0xFFFFEC00  }
0x16: {  	[tilespmem:s10], [sflag:$0x1] =	stream.linear.gather [hbm4b:s1+s3], $0x4000, $0x38;
	[tilespmem:$0x18CC0] =	vst v63  }
0x17: {  	_ =	swait.ge [sflag:s9], $0x4000  }
0x18: {  	[sflag:s9] =	ssyncset.done $0x0  }
0x19: {  	[sflag:s9] =	ssyncadd.s32 $0xFFFFC000  }
0x1a: {  	s31 =	simm.s32 $0x0;
	[bflag:$0x0] =	sbarrier.arrive $0xFFFF  }
0x1b: {  	[spmem:s2] =	stream.indirect.scatter.add.f32 [tilespmem:s10], [sflag:$0x1], $0x80, s31, s11, $0xb8;
	[tilespmem:$0x18CC0] =	vst v63  }
0x1c: {  	_ =	swait.ge [sflag:s9], $0x4000  }
0x1d: {  	s13 =	simm.s32 $0x200;
	[sflag:s9] =	ssyncset.done $0x0  }
.LBB2_2:
0x1e: {  	s14 =	sshra.s32 s13, $0x2;
	[sflag:s9] =	ssyncadd.s32 $0xFFFFC000;
	p1 =	sne.s32 s13, $0x4E00  }
0x1f: {  	[spmem:s2] =	stream.indirect.scatter.add.f32 [tilespmem:s10], [sflag:$0x1], $0x80, s14, s11, $0xb8;
	[tilespmem:$0x18CC0] =	vst v63  }
.Ltmp0:
0x20: {  	_ = 	snop;
	(pc) =	sbr.rel @p1 .LBB2_2-.Ltmp0, $4  }
0x21: {  	_ = 	snop  }
0x22: {  	s13 =	sadd.s32 $0x200, s13  }
0x23: {  	_ =	swait.ge [sflag:s9], $0x4000  }
0x24: {  	[sflag:s9] =	ssyncset.done $0x0  }
0x25: {  	[sflag:s9] =	ssyncadd.s32 $0xFFFFC000;
	s12 =	sadd.s32 $0x1, s12  }
0x26: {  	s13 =	simm.s32 @!p0 $0x1C01;
	[bflag:$0x0] =	sbarrier.arrive $0xFFFF;
	p1 =	sne.s32 s12, s7  }
0x27: {  	[hbm:s6], [sflag:s13] =	dma.local @!p0 [spmem:s8], $0x27180  }
.Ltmp1:
0x28: {  	_ = 	snop;
	(pc) =	sbr.rel @p1 .LBB2_1-.Ltmp1, $4  }
0x29: {  	s13 =	simm.s32 @!p0 $0x1  }
0x2a: {  	_ =	swait.ge @!p0 [sflag:s13], $0x27180  }
0x2b: {  	[sflag:s13] =	ssyncset.done @!p0 $0x0  }
0x2c: {  	[sflag:s13] =	ssyncadd.s32 @!p0 $0xFFFD8E80  }
0x2d: {  	_ =	sfence.sel $0x180000  }
0x2e: {  	[bflag:$0x0] =	sbarrier.arrive $0xFFFF  }
0x2f: {  	_ =	strace $0x9000004D  }
0x30: {  	s0 =	sadd.s32 @!p0 $0x100000, s0;
	[bflag:$0x2] =	sbarrier.arrive $0xFFFF  }
0x31: {  	[sflag:s0] =	ssyncadd.tile.s32 @!p0 $0x1;
	_ =	shalt  }
.Lfunc_end2:
_tile_overlayer_lowered:
.L_overlay_start_2:
0x32: {  	(tag) =	ssettag $0x2  }
0x33: {  	s0 =	rddreg [dreg:$0x0];
	s2 =	stileid.u32  }
0x34: {  	s1 =	rddreg [dreg:$0x1];
	p0 =	sne.s32 s2, $0x0  }
0x35: {  	s3 =	rddreg [dreg:$0x2];
	[bflag:$0x3] =	sbarrier.arrive $0xFFFF;
	s2 =	simm.s32 @!p0 $0x1C01  }
0x36: {  	[timem:s3], [sflag:s2] =	dma.local @!p0 [hbm:s0], s1  }
0x37: {  	s0 =	simm.s32 @!p0 $0x1  }
0x38: {  	_ =	swait.ge @!p0 [sflag:s0], s1  }
0x39: {  	s1 =	ssub.s32 @!p0 $0x0, s1;
	[sflag:s0] =	ssyncset.done @!p0 $0x0  }
0x3a: {  	[sflag:s0] =	ssyncadd.s32 @!p0 s1  }
0x3b: {  	[bflag:$0x3] =	sbarrier.arrive $0xFFFF  }
0x3c: {  	_ =	shalt  }

// kernel: kernel.17.cloned.1.call-start
scs
__scs_entry_jumppad:
0x0: {  	(pc) =	sbr.rel $0x88, $3  }
0x1: {  	(tag) =	ssettag $0x0;
	lr =	simm.s32 $0x1  }
0x2: {  	[smem:$0x3F93] =	sst lr;
	_ =	strace $0xD0000000  }
0x3: {  	_ = 	snop  }
0x4: {  	_ = 	snop  }
0x5: {  	_ = 	snop  }
0x6: {  	_ = 	snop  }
0x7: {  	_ = 	snop  }
__scs_overlays_trampoline_lowered:
0x8: {  	[smem:$0x3FA2] =	sst s0  }
0x9: {  	[smem:$0x3FA3] =	sst s1  }
0xa: {  	[smem:$0x3FA4] =	sst s2  }
0xb: {  	[smem:$0x3FA5] =	sst s3  }
0xc: {  	[smem:$0x3FA6] =	sst s4  }
0xd: {  	[smem:$0x3FA7] =	sst s5  }
0xe: {  	[smem:$0x3FA8] =	sst s6  }
0xf: {  	[smem:$0x3FA9] =	sst s7  }
0x10: {  	[smem:$0x3FAA] =	sst s8  }
0x11: {  	[smem:$0x3FAB] =	sst s9;
	s0 =	simm.s32 @!p0 $0x0  }
0x12: {  	s1 =	sld [smem:$0x3F91];
	s0 =	simm.s32 @p0 $0x1  }
0x13: {  	[smem:$0x3FAC] =	sst s0;
	s0 =	simm.s32 @!p1 $0x0  }
0x14: {  	s2 =	sld [smem:$0x3F90];
	s0 =	simm.s32 @p1 $0x1  }
0x15: {  	[smem:$0x3FAD] =	sst s0;
	s0 =	simm.s32 @!p2 $0x0  }
0x16: {  	s3 =	sld [smem:$0x3FDB];
	s0 =	simm.s32 @p2 $0x1  }
0x17: {  	s4 =	simm.s32 $0x1BF5;
	[smem:$0x3FAF] =	sst s0  }
0x18: {  	s0 =	sld [smem:$0x3F92];
	_ =	swait.ge [sflag:s4], $0x0  }
0x19: {  	s7 =	sld [smem:$0x3F93]  }
0x1a: {  	s8 =	sadd.s32 $0xFFFFE003, lr  }
0x1b: {  	s9 =	sadd.s32 $0xFFFFFEF7, lr;
	s5 =	simm.s32 $0xFFFFFFFF;
	p2 =	slt.u32 s8, $0xFFFFF086  }
0x1c: {  	p1 =	slt.u32 s9, $0xF7A;
	s5 =	simm.s32 @!p2 $0x0  }
0x1d: {  	s5 =	simm.s32 @p1 $0x1;
	p0 =	seq.s32 s7, s2  }
0x1e: {  	s7 =	smul.u32 @!p0 $0xF7A, s2;
	p2 =	seq.s32 @!p0 s5, $0x0  }
0x1f: {  	s9 =	smul.u32 $0xF7A, s1;
	s8 =	simm.s32 @!p0 $0x1BF5;
	p2 =	por !p2, p0  }
0x20: {  	[sflag:s8] =	ssyncset.s32 @!p0 $0xFFFFF086;
	s6 =	sadd.s32 @!p0 s3, s7;
	s7 =	simm.s32 @!p0 $0x108  }
0x21: {  	s3 =	sadd.s32 s3, s9;
	s6 =	sadd.s32 @!p0 $0x88, s6;
	s7 =	simm.s32 @p2 $0x1082  }
0x22: {  	[simem:s7], [sflag:s8] =	dma.local @!p0 [hbm:s6], $0xF7A  }
0x23: {  	s9 =	sor.u32 $0xD0000000, s2;
	s6 =	simm.s32 $0x108;
	_ =	swait.ge @!p0 [sflag:s8], $0x0  }
0x24: {  	s3 =	sadd.s32 $0x88, s3;
	s6 =	simm.s32 @!p1 $0x1082;
	[sflag:s4] =	ssyncset.s32 $0xFFFFF086  }
0x25: {  	[simem:s6], [sflag:s4] =	dma.local [hbm:s3], $0xF7A  }
0x26: {  	[smem:$0x3F93] =	sst s1;
	(tag) =	ssettag s2;
	_ =	strace s9  }
0x27: {  	s1 =	sld [smem:$0x3FA3]  }
0x28: {  	s2 =	sld [smem:$0x3FA4]  }
0x29: {  	s4 =	sld [smem:$0x3FA6]  }
0x2a: {  	p0 =	seq.s32 s5, $0x0;
	s5 =	sld [smem:$0x3FA7]  }
0x2b: {  	s6 =	sld [smem:$0x3FA8]  }
0x2c: {  	s7 =	sld [smem:$0x3FA9]  }
0x2d: {  	s3 =	simm.s32 $0x108;
	s8 =	sld [smem:$0x3FAA]  }
0x2e: {  	s3 =	simm.s32 @!p0 $0x1082;
	s9 =	sld [smem:$0x3FAB]  }
0x2f: {  	lr =	sadd.s32 s0, s3;
	s0 =	sld [smem:$0x3FA2]  }
0x30: {  	s3 =	sld [smem:$0x3FA5]  }
0x31: {  	[smem:$0x3FAE] =	sst s10  }
0x32: {  	s10 =	sld [smem:$0x3FAC];
	_ =	sdelay $0x3  }
0x33: {  	p0 =	seq.s32 s10, $0x1;
	s10 =	sld [smem:$0x3FAE];
	_ =	sdelay $0x3  }
0x34: {  	[smem:$0x3FAE] =	sst s10  }
0x35: {  	s10 =	sld [smem:$0x3FAD];
	_ =	sdelay $0x3  }
0x36: {  	p1 =	seq.s32 s10, $0x1;
	s10 =	sld [smem:$0x3FAE];
	_ =	sdelay $0x3  }
0x37: {  	[smem:$0x3FAE] =	sst s10  }
0x38: {  	s10 =	sld [smem:$0x3FAF]  }
0x39: {  	_ = 	snop;
	(pc) =	sbr.ind lr, $3  }
0x3a: {  	_ = 	snop  }
0x3b: {  	_ = 	snop  }
0x3c: {  	p2 =	seq.s32 s10, $0x1;
	s10 =	sld [smem:$0x3FAE]  }
0x3d: {  	_ =	shalt  }
0x3e: {  	_ =	shalt  }
0x3f: {  	_ =	shalt  }
0x40: {  	_ =	shalt  }
0x41: {  	_ =	shalt  }
0x42: {  	_ =	shalt  }
0x43: {  	_ =	shalt  }
0x44: {  	_ =	shalt  }
0x45: {  	_ =	shalt  }
0x46: {  	_ =	shalt  }
0x47: {  	_ =	shalt  }
0x48: {  	_ =	shalt  }
0x49: {  	_ =	shalt  }
0x4a: {  	_ =	shalt  }
0x4b: {  	_ =	shalt  }
0x4c: {  	_ =	shalt  }
0x4d: {  	_ =	shalt  }
0x4e: {  	_ =	shalt  }
0x4f: {  	_ =	shalt  }
0x50: {  	_ =	shalt  }
0x51: {  	_ =	shalt  }
0x52: {  	_ =	shalt  }
0x53: {  	_ =	shalt  }
0x54: {  	_ =	shalt  }
0x55: {  	_ =	shalt  }
0x56: {  	_ =	shalt  }
0x57: {  	_ =	shalt  }
0x58: {  	_ =	shalt  }
0x59: {  	_ =	shalt  }
0x5a: {  	_ =	shalt  }
0x5b: {  	_ =	shalt  }
0x5c: {  	_ =	shalt  }
0x5d: {  	_ =	shalt  }
0x5e: {  	_ =	shalt  }
0x5f: {  	_ =	shalt  }
0x60: {  	_ =	shalt  }
0x61: {  	_ =	shalt  }
0x62: {  	_ =	shalt  }
0x63: {  	_ =	shalt  }
0x64: {  	_ =	shalt  }
0x65: {  	_ =	shalt  }
0x66: {  	_ =	shalt  }
0x67: {  	_ =	shalt  }
0x68: {  	_ =	shalt  }
0x69: {  	_ =	shalt  }
0x6a: {  	_ =	shalt  }
0x6b: {  	_ =	shalt  }
0x6c: {  	_ =	shalt  }
0x6d: {  	_ =	shalt  }
0x6e: {  	_ =	shalt  }
0x6f: {  	_ =	shalt  }
0x70: {  	_ =	shalt  }
0x71: {  	_ =	shalt  }
0x72: {  	_ =	shalt  }
0x73: {  	_ =	shalt  }
0x74: {  	_ =	shalt  }
0x75: {  	_ =	shalt  }
0x76: {  	_ =	shalt  }
0x77: {  	_ =	shalt  }
0x78: {  	_ =	shalt  }
0x79: {  	_ =	shalt  }
0x7a: {  	_ =	shalt  }
0x7b: {  	_ =	shalt  }
0x7c: {  	_ =	shalt  }
0x7d: {  	_ =	shalt  }
0x7e: {  	_ =	shalt  }
0x7f: {  	_ =	shalt  }
0x80: {  	_ =	shalt  }
0x81: {  	_ =	shalt  }
0x82: {  	_ =	shalt  }
0x83: {  	_ =	shalt  }
0x84: {  	_ =	shalt  }
0x85: {  	_ =	shalt  }
0x86: {  	_ =	shalt  }
0x87: {  	_ =	shalt  }
.Lfunc_end0:
.L_simem_size_0:
called_computation.3_lowered:
.L_overlay_start_0:
0x88: {  	s2 =	sld [smem:$0x3FD9]  }
0x89: {  	s3 =	sld [smem:$0x3FFE];
	_ =	sdelay $0x1  }
0x8a: {  	s1 =	srdreg.scid  }
0x8b: {  	s0 =	sand.u32 $0x1, s1  }
0x8c: {  	s17 =	sshll.u32 s0, $0xA;
	s2 =	sadd.s32 s3, s2  }
0x8d: {  	s2 =	sadd.s32 s2, s17  }
0x8e: {  	[smem:$0x3FBA] =	sst s2  }
0x8f: {  	_ = 	snop  }
0x90: {  	(tm) =	ssettm $0x1  }
0x91: {  	s18 =	sld [smem:$0x3FFB];
	_ =	sdelay $0x3  }
0x92: {  	_ =	strace s18  }
0x93: {  	s2 =	sld [smem:$0x3FFC];
	_ =	sdelay $0x3  }
0x94: {  	_ =	strace s2  }
0x95: {  	s2 =	sld [smem:$0x3FFD];
	_ =	sdelay $0x3  }
0x96: {  	_ =	strace s2  }
0x97: {  	_ =	strace $0x8FFFFFFF  }
0x98: {  	s19 =	sld [smem:$0x3FDB];
	_ =	sdelay $0x1  }
0x99: {  	s20 =	simm.s32 $_scs_section_size  }
0x9a: {  	s4 =	simm.s32 $_size__tile_overlayer_lowered;
	s5 =	simm.s32 $_tile_overlayer_lowered  }
0x9b: {  	s6 =	simm.s32 $0x1BFF;
	s21 =	sshll.u32 s5, $0x1;
	s3 =	sadd.s32 s20, s19  }
0x9c: {  	s22 =	simm.s32 $0x0;
	s4 =	sshll.u32 s4, $0x1;
	s5 =	sadd.s32 s21, s3  }
0x9d: {  	[timem:s22], [sflag:s6] =	dma.local [hbm:s5], s4  }
0x9e: {  	_ =	swait.ge [sflag:s6], s4  }
0x9f: {  	s4 =	ssub.s32 $0x0, s4;
	[sflag:s6] =	ssyncset.done $0x0  }
0xa0: {  	[sflag:s6] =	ssyncadd.s32 s4;
	_ =	sdelay $0x1  }
0xa1: {  	s23 =	simm.s32 $0x1B8B  }
0xa2: {  	_ =	swait.ge [sflag:s23], $0x1  }
0xa3: {  	[sflag:s23] =	ssyncset.done $0x0  }
0xa4: {  	[sflag:s23] =	ssyncadd.s32 $0xFFFFFFFF  }
0xa5: {  	s4 =	sld [smem:$0x0]  }
0xa6: {  	s5 =	sand.u32 $0xFFFFFFFE, s1  }
0xa7: {  	p0 =	sne.s32 s1, s5  }
0xa8: {  	s5 =	sshll.u32 @p0 s5, $0xE  }
0xa9: {  	s5 =	sadd.s32 @p0 $0x11B8D, s5;
	s6 =	sshll.u32 @p0 s4, $0x11  }
0xaa: {  	s5 =	sor.u32 @p0 s6, s5  }
0xab: {  	[sflag:s5] =	ssyncadd.remote.s32 @p0 $0x1;
	_ =	sdelay $0x1  }
0xac: {  	s5 =	simm.s32 @p0 $0x1B8D  }
0xad: {  	_ =	swait.eq @p0 [sflag:s5], $0x1  }
0xae: {  	[sflag:s5] =	ssyncadd.s32 @p0 $0xFFFFFFFF  }
0xaf: {  	s6 =	sshll.u32 @!p0 s1, $0xE  }
0xb0: {  	s6 =	sor.u32 @!p0 $0x4000, s6;
	s5 =	simm.s32 @!p0 $0x1B8D  }
0xb1: {  	s4 =	sshll.u32 @!p0 s4, $0x11;
	s6 =	sadd.s32 @!p0 $0x11B8D, s6;
	_ =	swait.eq @!p0 [sflag:s5], $0x1  }
0xb2: {  	s4 =	sor.u32 @!p0 s4, s6;
	[sflag:s5] =	ssyncadd.s32 @!p0 $0xFFFFFFFF  }
0xb3: {  	s25 =	simm.s32 $0x1B8E;
	s24 =	sld [smem:$0x3FFE];
	[sflag:s4] =	ssyncadd.remote.s32 @!p0 $0x1  }
0xb4: {  	s26 =	simm.s32 $execute0_lowered;
	[smem:$0x3FD2] =	sst s25  }
0xb5: {  	s5 =	sshll.u32 s26, $0x1;
	_ =	strace $0x8000004F;
	[dreg:$0x1] =	wrdreg $0xFFFFFFFF  }
0xb6: {  	s28 =	simm.s32 $_size_execute0_lowered;
	s3 =	sadd.s32 s3, s5;
	[dreg:$0x0] =	wrdreg $0x0  }
0xb7: {  	s5 =	sshll.u32 s28, $0x1;
	[dreg:$0x2] =	wrdreg s3  }
0xb8: {  	[dreg:$0x3] =	wrdreg s5  }
0xb9: {  	[dreg:$0x4] =	wrdreg $0xC0  }
0xba: {  	_ =	task [dreg:s22], $0x5FFFF  }
0xbb: {  	[dreg:$0x1] =	wrdreg $0xFFFFFFFF  }
0xbc: {  	[dreg:$0x0] =	wrdreg $0x60  }
0xbd: {  	[dreg:$0x2] =	wrdreg s24  }
0xbe: {  	[dreg:$0x3] =	wrdreg $0x90000  }
0xbf: {  	[dreg:$0x4] =	wrdreg $0xA  }
0xc0: {  	_ =	task.clear_ibuf [dreg:s22], $0x5FFFF;
	_ =	strace $0x9000004F  }
0xc1: {  	s29 =	simm.s32 $0xA;
	_ =	strace $0x80000051  }
0xc2: {  	_ =	swait.ge [sflag:s29], $0x1  }
0xc3: {  	[sflag:s29] =	ssyncadd.s32 $0xFFFFFFFF  }
0xc4: {  	_ =	strace $0x90000051  }
0xc5: {  	_ =	sfence  }
0xc6: {  	s30 =	sld [smem:$0x0];
	_ =	sdelay $0x2  }
0xc7: {  	s31 =	sshll.u32 s1, $0xD;
	s1 =	sshrl.u32 s1, $0x2  }
0xc8: {  	s4 =	sand.u32 $0x4000, s31;
	s1 =	sadd.s32 s1, s30  }
0xc9: {  	s0 =	sor.u32 s4, s0;
	s1 =	sshll.u32 s1, $0x11  }
0xca: {  	s0 =	sor.u32 s1, s0  }
0xcb: {  	s0 =	sadd.s32 $0x8F2B, s0  }
0xcc: {  	[sflag:s0] =	ssyncadd.remote.s32 $0x1  }
0xcd: {  	_ =	sfence.sel $0xFFFF  }
0xce: {  	[dreg:$0x0] =	wrdreg $0xFFFFFFFF;
	(pc) =	sbr.abs _section_cstart, $3  }
0xcf: {  	[dreg:$0x1] =	wrdreg $0xFFFFFFFF  }
0xd0: {  	_ =	task.clear_ibuf [dreg:s22], $0x2FFFF;
	_ =	strace $0x9FFFFFFF  }
0xd1: {  	(tm) =	ssettm $0x7FFFFFFF  }
tec
execute0_lowered:
.L_overlay_start_1:
0x0: {  	(tag) =	ssettag $0x1  }
0x1: {  	s6 =	rddreg [dreg:$0x0]  }
0x2: {  	s1 =	rddreg [dreg:$0x1]  }
0x3: {  	s0 =	rddreg [dreg:$0x2];
	s2 =	simm.s32 $0x0  }
0x4: {  	s13 =	stileid.u32;
	s3 =	srdreg.scid;
	s14 =	simm.s32 $0x5000  }
0x5: {  	s18 =	simm.s32 $0x0;
	[smem:$0x7FF] =	sst s2;
	s4 =	smul.u32 $0x500, s13  }
0x6: {  	s9 =	sand.u32 $0x1, s3;
	s3 =	sadd.s32 $0x4200, s6;
	s10 =	sadd.s32 $0x2B400, s6  }
0x7: {  	s5 =	sadd.s32 $0x83800, s6;
	p0 =	seq.s32 s13, $0x0;
	_ =	strace $0x80000050  }
0x8: {  	s7 =	ssub.s32 $0x2, s9;
	p2 =	seq.s32 s9, $0x1;
	s12 =	sor.u32 s9, s13  }
0x9: {  	s8 =	sadd.s32 s4, s6;
	s4 =	sadd.s32 $0x5C600, s6;
	s11 =	sshrl.u32 s7, $0x1  }
0xa: {  	s6 =	sadd.s32 $0xAAA00, s6;
	p0 =	por !p0, !p2;
	s3 =	smov.u32 @p2 s10  }
0xb: {  	p2 =	sne.s32 s12, $0x0;
	s12 =	simm.s32 $0x2800;
	s11 =	ssub.s32 s7, s11  }
0xc: {  	s7 =	sadd.s32 $0x17D400, s8;
	s8 =	sadd.s32 $0x178400, s8;
	p1 =	por !p0, !p0  }
0xd: {  	p0 =	sne.s32 s13, $0x0;
	s15 =	sshll.u32 @!p2 s13, $0x6;
	s13 =	simm.s32 $0x80  }
0xe: {  	s16 =	sshrl.u32 @!p2 s1, $0x3;
	s9 =	smax.u32 s11, $0x1;
	s10 =	sshrl.u32 @!p0 s1, $0x3  }
0xf: {  	s11 =	simm.s32 $0x1;
	s15 =	sor.u32 @!p2 $0x1C01, s15;
	s17 =	sshrl.u32 @p1 s1, $0x3  }
.LBB2_1:
0x10: {  	s19 =	simm.s32 @!p0 $0x1C01  }
0x11: {  	[spmem:s10], [sflag:s19] =	dma.local @!p0 [hbm:s4], $0x27180  }
0x12: {  	s19 =	simm.s32 @!p0 $0x1  }
0x13: {  	_ =	swait.ge @!p0 [sflag:s19], $0x27180  }
0x14: {  	[sflag:s19] =	ssyncset.done @!p0 $0x0  }
0x15: {  	[sflag:s19] =	ssyncadd.s32 @!p0 $0xFFFD8E80  }
0x16: {  	[tilespmem:s2], [sflag:$0x1] =	stream.linear.gather [hbm4b:s7+s2], $0x2780, $0x38;
	[tilespmem:$0x1C8C0] =	vst v63  }
0x17: {  	_ =	swait.ge [sflag:s11], $0x2780  }
0x18: {  	[sflag:s11] =	ssyncset.done $0x0  }
0x19: {  	[sflag:s11] =	ssyncadd.s32 $0xFFFFD880  }
0x1a: {  	[tilespmem:s12], [sflag:$0x1] =	stream.linear.gather [hbm4b:s8+s2], $0x2780, $0x38;
	[tilespmem:$0x1C8C0] =	vst v63  }
0x1b: {  	_ =	swait.ge [sflag:s11], $0x2780  }
0x1c: {  	[sflag:s11] =	ssyncset.done $0x0  }
0x1d: {  	[sflag:s11] =	ssyncadd.s32 $0xFFFFD880  }
0x1e: {  	s30 =	simm.s32 $0x0;
	[bflag:$0x0] =	sbarrier.arrive $0xFFFF  }
0x1f: {  	[tilespmem:s14], [sflag:$0x1] =	stream.indirect.gather [hbm4b:s3+s13], $0x80, s30, s13, $0xb8;
	[tilespmem:$0x1C8C0] =	vst v63  }
0x20: {  	_ =	swait.ge [sflag:s11], $0x4000  }
0x21: {  	[sflag:s11] =	ssyncset.done $0x0  }
0x22: {  	s31 =	simm.s32 $0x2800;
	[sflag:s11] =	ssyncadd.s32 $0xFFFFC000  }
0x23: {  	[spmem:s1] =	stream.indirect.scatter.add.f32 [tilespmem:s14], [sflag:$0x1], $0x80, s31, s13, $0xb8;
	[tilespmem:$0x1C8C0] =	vst v63  }
0x24: {  	_ =	swait.ge [sflag:s11], $0x4000  }
0x25: {  	s20 =	simm.s32 $0x400;
	s19 =	simm.s32 $0x200;
	[sflag:s11] =	ssyncset.done $0x0  }
.LBB2_2:
0x26: {  	s21 =	sshra.s32 s19, $0x2  }
0x27: {  	[sflag:s11] =	ssyncadd.s32 $0xFFFFC000;
	s19 =	smov.u32 s20;
	s22 =	sadd.s32 $0x200, s20  }
0x28: {  	[tilespmem:s14], [sflag:$0x1] =	stream.indirect.gather [hbm4b:s3+s13], $0x80, s21, s13, $0xb8;
	[tilespmem:$0x1C8C0] =	vst v63  }
0x29: {  	p3 =	sne.s32 s20, $0x9C00;
	_ =	swait.ge [sflag:s11], $0x4000  }
.Ltmp0:
0x2a: {  	[sflag:s11] =	ssyncset.done $0x0;
	(pc) =	sbr.rel @p3 .LBB2_2-.Ltmp0, $4  }
0x2b: {  	s20 =	sadd.s32 $0x2800, s21;
	[sflag:s11] =	ssyncadd.s32 $0xFFFFC000  }
0x2c: {  	[spmem:s1] =	stream.indirect.scatter.add.f32 [tilespmem:s14], [sflag:$0x1], $0x80, s20, s13, $0xb8;
	[tilespmem:$0x1C8C0] =	vst v63  }
0x2d: {  	_ =	swait.ge [sflag:s11], $0x4000  }
0x2e: {  	s20 =	smov.u32 s22;
	[sflag:s11] =	ssyncset.done $0x0  }
0x2f: {  	s19 =	sshra.s32 s19, $0x2;
	[sflag:s11] =	ssyncadd.s32 $0xFFFFC000  }
0x30: {  	[tilespmem:s14], [sflag:$0x1] =	stream.indirect.gather [hbm4b:s3+s13], $0x80, s19, s13, $0xb8;
	[tilespmem:$0x1C8C0] =	vst v63  }
0x31: {  	_ =	swait.ge [sflag:s11], $0x4000  }
0x32: {  	[sflag:s11] =	ssyncset.done $0x0  }
0x33: {  	s19 =	sadd.s32 $0x2800, s19;
	[sflag:s11] =	ssyncadd.s32 $0xFFFFC000  }
0x34: {  	[spmem:s1] =	stream.indirect.scatter.add.f32 [tilespmem:s14], [sflag:$0x1], $0x80, s19, s13, $0xb8;
	[tilespmem:$0x1C8C0] =	vst v63  }
0x35: {  	_ =	swait.ge [sflag:s11], $0x4000  }
0x36: {  	[sflag:s11] =	ssyncset.done $0x0  }
0x37: {  	[sflag:s11] =	ssyncadd.s32 $0xFFFFC000  }
0x38: {  	s19 =	simm.s32 @!p2 $0x1;
	[bflag:$0x0] =	sbarrier.arrive $0xFFFF  }
0x39: {  	[hbm:s5], [sflag:s15] =	dma.local @!p2 [spmem:s16], $0x27180  }
0x3a: {  	_ =	swait.ge @!p2 [sflag:s19], $0x27180  }
0x3b: {  	s18 =	sadd.s32 $0x1, s18;
	[sflag:s19] =	ssyncset.done @!p2 $0x0  }
0x3c: {  	p3 =	sne.s32 s18, s9;
	[sflag:s19] =	ssyncadd.s32 @!p2 $0xFFFD8E80;
	s19 =	simm.s32 @p1 $0x1C01  }
0x3d: {  	[hbm:s6], [sflag:s19] =	dma.local @p1 [spmem:s17], $0x27180  }
.Ltmp1:
0x3e: {  	_ = 	snop;
	(pc) =	sbr.rel @p3 .LBB2_1-.Ltmp1, $4  }
0x3f: {  	s19 =	simm.s32 @p1 $0x1  }
0x40: {  	_ =	swait.ge @p1 [sflag:s19], $0x27180  }
0x41: {  	[sflag:s19] =	ssyncset.done @p1 $0x0  }
0x42: {  	[sflag:s19] =	ssyncadd.s32 @p1 $0xFFFD8E80  }
0x43: {  	_ =	sfence.sel $0x180000  }
0x44: {  	[bflag:$0x0] =	sbarrier.arrive $0xFFFF  }
0x45: {  	_ =	strace $0x90000050  }
0x46: {  	s0 =	sadd.s32 @!p0 $0x100000, s0;
	[bflag:$0x2] =	sbarrier.arrive $0xFFFF  }
0x47: {  	[sflag:s0] =	ssyncadd.tile.s32 @!p0 $0x1;
	_ =	shalt  }
.Lfunc_end2:
_tile_overlayer_lowered:
.L_overlay_start_2:
0x48: {  	(tag) =	ssettag $0x2  }
0x49: {  	s0 =	rddreg [dreg:$0x0];
	s2 =	stileid.u32  }
0x4a: {  	s1 =	rddreg [dreg:$0x1];
	p0 =	sne.s32 s2, $0x0  }
0x4b: {  	s3 =	rddreg [dreg:$0x2];
	[bflag:$0x3] =	sbarrier.arrive $0xFFFF;
	s2 =	simm.s32 @!p0 $0x1C01  }
0x4c: {  	[timem:s3], [sflag:s2] =	dma.local @!p0 [hbm:s0], s1  }
0x4d: {  	s0 =	simm.s32 @!p0 $0x1  }
0x4e: {  	_ =	swait.ge @!p0 [sflag:s0], s1  }
0x4f: {  	s1 =	ssub.s32 @!p0 $0x0, s1;
	[sflag:s0] =	ssyncset.done @!p0 $0x0  }
0x50: {  	[sflag:s0] =	ssyncadd.s32 @!p0 s1  }
0x51: {  	[bflag:$0x3] =	sbarrier.arrive $0xFFFF  }
0x52: {  	_ =	shalt  }

// kernel: kernel.8.cloned.1.call-start
scs
__scs_entry_jumppad:
0x0: {  	(pc) =	sbr.rel $0x88, $3  }
0x1: {  	(tag) =	ssettag $0x0;
	lr =	simm.s32 $0x1  }
0x2: {  	[smem:$0x3F93] =	sst lr;
	_ =	strace $0xD0000000  }
0x3: {  	_ = 	snop  }
0x4: {  	_ = 	snop  }
0x5: {  	_ = 	snop  }
0x6: {  	_ = 	snop  }
0x7: {  	_ = 	snop  }
__scs_overlays_trampoline_lowered:
0x8: {  	[smem:$0x3FA2] =	sst s0  }
0x9: {  	[smem:$0x3FA3] =	sst s1  }
0xa: {  	[smem:$0x3FA4] =	sst s2  }
0xb: {  	[smem:$0x3FA5] =	sst s3  }
0xc: {  	[smem:$0x3FA6] =	sst s4  }
0xd: {  	[smem:$0x3FA7] =	sst s5  }
0xe: {  	[smem:$0x3FA8] =	sst s6  }
0xf: {  	[smem:$0x3FA9] =	sst s7  }
0x10: {  	[smem:$0x3FAA] =	sst s8  }
0x11: {  	[smem:$0x3FAB] =	sst s9;
	s0 =	simm.s32 @!p0 $0x0  }
0x12: {  	s1 =	sld [smem:$0x3F91];
	s0 =	simm.s32 @p0 $0x1  }
0x13: {  	[smem:$0x3FAC] =	sst s0;
	s0 =	simm.s32 @!p1 $0x0  }
0x14: {  	s2 =	sld [smem:$0x3F90];
	s0 =	simm.s32 @p1 $0x1  }
0x15: {  	[smem:$0x3FAD] =	sst s0;
	s0 =	simm.s32 @!p2 $0x0  }
0x16: {  	s3 =	sld [smem:$0x3FDB];
	s0 =	simm.s32 @p2 $0x1  }
0x17: {  	s4 =	simm.s32 $0x1BF5;
	[smem:$0x3FAF] =	sst s0  }
0x18: {  	s0 =	sld [smem:$0x3F92];
	_ =	swait.ge [sflag:s4], $0x0  }
0x19: {  	s7 =	sld [smem:$0x3F93]  }
0x1a: {  	s8 =	sadd.s32 $0xFFFFE003, lr  }
0x1b: {  	s9 =	sadd.s32 $0xFFFFFEF7, lr;
	s5 =	simm.s32 $0xFFFFFFFF;
	p2 =	slt.u32 s8, $0xFFFFF086  }
0x1c: {  	p1 =	slt.u32 s9, $0xF7A;
	s5 =	simm.s32 @!p2 $0x0  }
0x1d: {  	s5 =	simm.s32 @p1 $0x1;
	p0 =	seq.s32 s7, s2  }
0x1e: {  	s7 =	smul.u32 @!p0 $0xF7A, s2;
	p2 =	seq.s32 @!p0 s5, $0x0  }
0x1f: {  	s9 =	smul.u32 $0xF7A, s1;
	s8 =	simm.s32 @!p0 $0x1BF5;
	p2 =	por !p2, p0  }
0x20: {  	[sflag:s8] =	ssyncset.s32 @!p0 $0xFFFFF086;
	s6 =	sadd.s32 @!p0 s3, s7;
	s7 =	simm.s32 @!p0 $0x108  }
0x21: {  	s3 =	sadd.s32 s3, s9;
	s6 =	sadd.s32 @!p0 $0x88, s6;
	s7 =	simm.s32 @p2 $0x1082  }
0x22: {  	[simem:s7], [sflag:s8] =	dma.local @!p0 [hbm:s6], $0xF7A  }
0x23: {  	s9 =	sor.u32 $0xD0000000, s2;
	s6 =	simm.s32 $0x108;
	_ =	swait.ge @!p0 [sflag:s8], $0x0  }
0x24: {  	s3 =	sadd.s32 $0x88, s3;
	s6 =	simm.s32 @!p1 $0x1082;
	[sflag:s4] =	ssyncset.s32 $0xFFFFF086  }
0x25: {  	[simem:s6], [sflag:s4] =	dma.local [hbm:s3], $0xF7A  }
0x26: {  	[smem:$0x3F93] =	sst s1;
	(tag) =	ssettag s2;
	_ =	strace s9  }
0x27: {  	s1 =	sld [smem:$0x3FA3]  }
0x28: {  	s2 =	sld [smem:$0x3FA4]  }
0x29: {  	s4 =	sld [smem:$0x3FA6]  }
0x2a: {  	p0 =	seq.s32 s5, $0x0;
	s5 =	sld [smem:$0x3FA7]  }
0x2b: {  	s6 =	sld [smem:$0x3FA8]  }
0x2c: {  	s7 =	sld [smem:$0x3FA9]  }
0x2d: {  	s3 =	simm.s32 $0x108;
	s8 =	sld [smem:$0x3FAA]  }
0x2e: {  	s3 =	simm.s32 @!p0 $0x1082;
	s9 =	sld [smem:$0x3FAB]  }
0x2f: {  	lr =	sadd.s32 s0, s3;
	s0 =	sld [smem:$0x3FA2]  }
0x30: {  	s3 =	sld [smem:$0x3FA5]  }
0x31: {  	[smem:$0x3FAE] =	sst s10  }
0x32: {  	s10 =	sld [smem:$0x3FAC];
	_ =	sdelay $0x3  }
0x33: {  	p0 =	seq.s32 s10, $0x1;
	s10 =	sld [smem:$0x3FAE];
	_ =	sdelay $0x3  }
0x34: {  	[smem:$0x3FAE] =	sst s10  }
0x35: {  	s10 =	sld [smem:$0x3FAD];
	_ =	sdelay $0x3  }
0x36: {  	p1 =	seq.s32 s10, $0x1;
	s10 =	sld [smem:$0x3FAE];
	_ =	sdelay $0x3  }
0x37: {  	[smem:$0x3FAE] =	sst s10  }
0x38: {  	s10 =	sld [smem:$0x3FAF]  }
0x39: {  	_ = 	snop;
	(pc) =	sbr.ind lr, $3  }
0x3a: {  	_ = 	snop  }
0x3b: {  	_ = 	snop  }
0x3c: {  	p2 =	seq.s32 s10, $0x1;
	s10 =	sld [smem:$0x3FAE]  }
0x3d: {  	_ =	shalt  }
0x3e: {  	_ =	shalt  }
0x3f: {  	_ =	shalt  }
0x40: {  	_ =	shalt  }
0x41: {  	_ =	shalt  }
0x42: {  	_ =	shalt  }
0x43: {  	_ =	shalt  }
0x44: {  	_ =	shalt  }
0x45: {  	_ =	shalt  }
0x46: {  	_ =	shalt  }
0x47: {  	_ =	shalt  }
0x48: {  	_ =	shalt  }
0x49: {  	_ =	shalt  }
0x4a: {  	_ =	shalt  }
0x4b: {  	_ =	shalt  }
0x4c: {  	_ =	shalt  }
0x4d: {  	_ =	shalt  }
0x4e: {  	_ =	shalt  }
0x4f: {  	_ =	shalt  }
0x50: {  	_ =	shalt  }
0x51: {  	_ =	shalt  }
0x52: {  	_ =	shalt  }
0x53: {  	_ =	shalt  }
0x54: {  	_ =	shalt  }
0x55: {  	_ =	shalt  }
0x56: {  	_ =	shalt  }
0x57: {  	_ =	shalt  }
0x58: {  	_ =	shalt  }
0x59: {  	_ =	shalt  }
0x5a: {  	_ =	shalt  }
0x5b: {  	_ =	shalt  }
0x5c: {  	_ =	shalt  }
0x5d: {  	_ =	shalt  }
0x5e: {  	_ =	shalt  }
0x5f: {  	_ =	shalt  }
0x60: {  	_ =	shalt  }
0x61: {  	_ =	shalt  }
0x62: {  	_ =	shalt  }
0x63: {  	_ =	shalt  }
0x64: {  	_ =	shalt  }
0x65: {  	_ =	shalt  }
0x66: {  	_ =	shalt  }
0x67: {  	_ =	shalt  }
0x68: {  	_ =	shalt  }
0x69: {  	_ =	shalt  }
0x6a: {  	_ =	shalt  }
0x6b: {  	_ =	shalt  }
0x6c: {  	_ =	shalt  }
0x6d: {  	_ =	shalt  }
0x6e: {  	_ =	shalt  }
0x6f: {  	_ =	shalt  }
0x70: {  	_ =	shalt  }
0x71: {  	_ =	shalt  }
0x72: {  	_ =	shalt  }
0x73: {  	_ =	shalt  }
0x74: {  	_ =	shalt  }
0x75: {  	_ =	shalt  }
0x76: {  	_ =	shalt  }
0x77: {  	_ =	shalt  }
0x78: {  	_ =	shalt  }
0x79: {  	_ =	shalt  }
0x7a: {  	_ =	shalt  }
0x7b: {  	_ =	shalt  }
0x7c: {  	_ =	shalt  }
0x7d: {  	_ =	shalt  }
0x7e: {  	_ =	shalt  }
0x7f: {  	_ =	shalt  }
0x80: {  	_ =	shalt  }
0x81: {  	_ =	shalt  }
0x82: {  	_ =	shalt  }
0x83: {  	_ =	shalt  }
0x84: {  	_ =	shalt  }
0x85: {  	_ =	shalt  }
0x86: {  	_ =	shalt  }
0x87: {  	_ =	shalt  }
.Lfunc_end0:
.L_simem_size_0:
called_computation_lowered:
.L_overlay_start_0:
0x88: {  	s2 =	sld [smem:$0x3FD9]  }
0x89: {  	s3 =	sld [smem:$0x3FFE];
	_ =	sdelay $0x1  }
0x8a: {  	s1 =	srdreg.scid  }
0x8b: {  	s0 =	sand.u32 $0x1, s1  }
0x8c: {  	s17 =	sshll.u32 s0, $0xA;
	s2 =	sadd.s32 s3, s2  }
0x8d: {  	s2 =	sadd.s32 s2, s17  }
0x8e: {  	[smem:$0x3FBA] =	sst s2  }
0x8f: {  	_ = 	snop  }
0x90: {  	s18 =	sld [smem:$0x3FD0];
	(tm) =	ssettm $0x1  }
0x91: {  	s19 =	sld [smem:$0x3FFB];
	_ =	sdelay $0x3  }
0x92: {  	_ =	strace s19  }
0x93: {  	s2 =	sld [smem:$0x3FFC];
	_ =	sdelay $0x3  }
0x94: {  	_ =	strace s2  }
0x95: {  	s2 =	sld [smem:$0x3FFD];
	_ =	sdelay $0x3  }
0x96: {  	_ =	strace s2  }
0x97: {  	_ =	strace $0x8FFFFFFF  }
0x98: {  	s20 =	sld [smem:$0x3FDB];
	_ =	sdelay $0x1  }
0x99: {  	s4 =	simm.s32 $_scs_section_size  }
0x9a: {  	s5 =	simm.s32 $_size__tile_overlayer_lowered;
	s6 =	simm.s32 $_tile_overlayer_lowered  }
0x9b: {  	s7 =	simm.s32 $0x1BFF;
	s21 =	sshll.u32 s6, $0x1;
	s4 =	sadd.s32 s4, s20  }
0x9c: {  	s22 =	simm.s32 $0x0;
	s5 =	sshll.u32 s5, $0x1;
	s6 =	sadd.s32 s21, s4  }
0x9d: {  	[timem:s22], [sflag:s7] =	dma.local [hbm:s6], s5  }
0x9e: {  	_ =	swait.ge [sflag:s7], s5  }
0x9f: {  	s5 =	ssub.s32 $0x0, s5;
	[sflag:s7] =	ssyncset.done $0x0  }
0xa0: {  	[sflag:s7] =	ssyncadd.s32 s5;
	_ =	sdelay $0x1  }
0xa1: {  	s23 =	simm.s32 $0x1B8B  }
0xa2: {  	_ =	swait.ge [sflag:s23], $0x1  }
0xa3: {  	[sflag:s23] =	ssyncset.done $0x0  }
0xa4: {  	[sflag:s23] =	ssyncadd.s32 $0xFFFFFFFF  }
0xa5: {  	s5 =	sld [smem:$0x0]  }
0xa6: {  	s6 =	sand.u32 $0xFFFFFFFE, s1  }
0xa7: {  	p0 =	sne.s32 s1, s6  }
0xa8: {  	s6 =	sshll.u32 @p0 s6, $0xE  }
0xa9: {  	s6 =	sadd.s32 @p0 $0x11B8D, s6;
	s7 =	sshll.u32 @p0 s5, $0x11  }
0xaa: {  	s6 =	sor.u32 @p0 s7, s6  }
0xab: {  	[sflag:s6] =	ssyncadd.remote.s32 @p0 $0x1;
	_ =	sdelay $0x1  }
0xac: {  	s6 =	simm.s32 @p0 $0x1B8D  }
0xad: {  	_ =	swait.eq @p0 [sflag:s6], $0x1  }
0xae: {  	[sflag:s6] =	ssyncadd.s32 @p0 $0xFFFFFFFF  }
0xaf: {  	s7 =	sshll.u32 @!p0 s1, $0xE  }
0xb0: {  	s7 =	sor.u32 @!p0 $0x4000, s7;
	s6 =	simm.s32 @!p0 $0x1B8D  }
0xb1: {  	s5 =	sshll.u32 @!p0 s5, $0x11;
	s7 =	sadd.s32 @!p0 $0x11B8D, s7;
	_ =	swait.eq @!p0 [sflag:s6], $0x1  }
0xb2: {  	s5 =	sor.u32 @!p0 s5, s7;
	[sflag:s6] =	ssyncadd.s32 @!p0 $0xFFFFFFFF  }
0xb3: {  	s25 =	simm.s32 $0x1B8E;
	s24 =	sld [smem:$0x3FFE];
	[sflag:s5] =	ssyncadd.remote.s32 @!p0 $0x1  }
0xb4: {  	s26 =	simm.s32 $execute0_lowered;
	[smem:$0x3FD2] =	sst s25  }
0xb5: {  	s6 =	sshll.u32 s26, $0x1;
	_ =	strace $0x80000049;
	[dreg:$0x1] =	wrdreg $0xFFFFFFFF  }
0xb6: {  	s28 =	simm.s32 $_size_execute0_lowered;
	s4 =	sadd.s32 s4, s6;
	[dreg:$0x0] =	wrdreg $0x0  }
0xb7: {  	s6 =	sshll.u32 s28, $0x1;
	[dreg:$0x2] =	wrdreg s4  }
0xb8: {  	[dreg:$0x3] =	wrdreg s6  }
0xb9: {  	[dreg:$0x4] =	wrdreg $0xC0  }
0xba: {  	_ =	task [dreg:s22], $0x5FFFF  }
0xbb: {  	[dreg:$0x1] =	wrdreg $0xFFFFFFFF  }
0xbc: {  	[dreg:$0x0] =	wrdreg $0x60  }
0xbd: {  	[dreg:$0x2] =	wrdreg s24  }
0xbe: {  	[dreg:$0x3] =	wrdreg s18  }
0xbf: {  	[dreg:$0x4] =	wrdreg $0x54000  }
0xc0: {  	[dreg:$0x5] =	wrdreg $0xA  }
0xc1: {  	_ =	task.clear_ibuf [dreg:s22], $0x6FFFF;
	_ =	strace $0x90000049  }
0xc2: {  	s29 =	simm.s32 $0xA;
	_ =	strace $0x8000004B  }
0xc3: {  	_ =	swait.ge [sflag:s29], $0x1  }
0xc4: {  	[sflag:s29] =	ssyncadd.s32 $0xFFFFFFFF  }
0xc5: {  	_ =	strace $0x9000004B  }
0xc6: {  	_ =	sfence  }
0xc7: {  	s30 =	sld [smem:$0x0];
	_ =	sdelay $0x2  }
0xc8: {  	s31 =	sshll.u32 s1, $0xD;
	s1 =	sshrl.u32 s1, $0x2  }
0xc9: {  	s4 =	sand.u32 $0x4000, s31;
	s1 =	sadd.s32 s1, s30  }
0xca: {  	s0 =	sor.u32 s4, s0;
	s1 =	sshll.u32 s1, $0x11  }
0xcb: {  	s0 =	sor.u32 s1, s0  }
0xcc: {  	s0 =	sadd.s32 $0x8F2B, s0  }
0xcd: {  	[sflag:s0] =	ssyncadd.remote.s32 $0x1  }
0xce: {  	_ =	sfence.sel $0xFFFF  }
0xcf: {  	[dreg:$0x0] =	wrdreg $0xFFFFFFFF;
	(pc) =	sbr.abs _section_cstart, $3  }
0xd0: {  	[dreg:$0x1] =	wrdreg $0xFFFFFFFF  }
0xd1: {  	_ =	task.clear_ibuf [dreg:s22], $0x2FFFF;
	_ =	strace $0x9FFFFFFF  }
0xd2: {  	(tm) =	ssettm $0x7FFFFFFF  }
0xd3: {  	_ =	shalt  }
tec
execute0_lowered:
.L_overlay_start_1:
0x0: {  	(tag) =	ssettag $0x1  }
0x1: {  	s5 =	rddreg [dreg:$0x0]  }
0x2: {  	s0 =	srdreg.scid;
	s1 =	rddreg [dreg:$0x1]  }
0x3: {  	s7 =	stileid.u32;
	s2 =	rddreg [dreg:$0x2]  }
0x4: {  	s3 =	simm.s32 $0x0;
	s11 =	simm.s32 $0x80;
	s12 =	simm.s32 $0x0  }
0x5: {  	s4 =	sand.u32 $0x1, s0;
	[smem:$0x7FF] =	sst s3;
	p0 =	sne.s32 s7, $0x0  }
0x6: {  	s0 =	sshll.u32 s4, $0x4;
	s8 =	smul.u32 $0x27180, s4;
	s9 =	ssub.s32 $0x2, s4  }
0x7: {  	s4 =	sadd.s32 $0x5C600, s5;
	s6 =	sor.u32 s7, s0;
	s0 =	rddreg [dreg:$0x3]  }
0x8: {  	_ =	strace $0x8000004A;
	s10 =	sshrl.u32 s9, $0x1;
	s6 =	smul.u32 $0x280, s6  }
0x9: {  	s8 =	sadd.s32 s8, s5;
	s9 =	ssub.s32 s9, s10;
	s10 =	simm.s32 $0x1400  }
0xa: {  	s7 =	smax.u32 s9, $0x1;
	s9 =	simm.s32 $0x1;
	s6 =	sadd.s32 s6, s5  }
0xb: {  	s5 =	sadd.s32 $0xD1C00, s6;
	s6 =	sadd.s32 $0xD6C00, s8;
	s8 =	sshrl.u32 @!p0 s2, $0x3  }
.LBB2_1:
0xc: {  	s13 =	simm.s32 @!p0 $0x1C01  }
0xd: {  	[spmem:s8], [sflag:s13] =	dma.local @!p0 [hbm:s4], $0x27180  }
0xe: {  	s13 =	simm.s32 @!p0 $0x1  }
0xf: {  	_ =	swait.ge @!p0 [sflag:s13], $0x27180  }
0x10: {  	[sflag:s13] =	ssyncset.done @!p0 $0x0  }
0x11: {  	[sflag:s13] =	ssyncadd.s32 @!p0 $0xFFFD8E80  }
0x12: {  	[tilespmem:s3], [sflag:$0x1] =	stream.linear.gather [hbm4b:s5+s3], $0x1400, $0x38;
	[tilespmem:$0x18CC0] =	vst v63  }
0x13: {  	_ =	swait.ge [sflag:s9], $0x1400  }
0x14: {  	[sflag:s9] =	ssyncset.done $0x0  }
0x15: {  	[sflag:s9] =	ssyncadd.s32 $0xFFFFEC00  }
0x16: {  	[tilespmem:s10], [sflag:$0x1] =	stream.linear.gather [hbm4b:s1+s3], $0x4000, $0x38;
	[tilespmem:$0x18CC0] =	vst v63  }
0x17: {  	_ =	swait.ge [sflag:s9], $0x4000  }
0x18: {  	[sflag:s9] =	ssyncset.done $0x0  }
0x19: {  	[sflag:s9] =	ssyncadd.s32 $0xFFFFC000  }
0x1a: {  	s31 =	simm.s32 $0x0;
	[bflag:$0x0] =	sbarrier.arrive $0xFFFF  }
0x1b: {  	[spmem:s2] =	stream.indirect.scatter.add.f32 [tilespmem:s10], [sflag:$0x1], $0x80, s31, s11, $0xb8;
	[tilespmem:$0x18CC0] =	vst v63  }
0x1c: {  	_ =	swait.ge [sflag:s9], $0x4000  }
0x1d: {  	s13 =	simm.s32 $0x200;
	[sflag:s9] =	ssyncset.done $0x0  }
.LBB2_2:
0x1e: {  	s14 =	sshra.s32 s13, $0x2;
	[sflag:s9] =	ssyncadd.s32 $0xFFFFC000;
	p1 =	sne.s32 s13, $0x4E00  }
0x1f: {  	[spmem:s2] =	stream.indirect.scatter.add.f32 [tilespmem:s10], [sflag:$0x1], $0x80, s14, s11, $0xb8;
	[tilespmem:$0x18CC0] =	vst v63  }
.Ltmp0:
0x20: {  	_ = 	snop;
	(pc) =	sbr.rel @p1 .LBB2_2-.Ltmp0, $4  }
0x21: {  	_ = 	snop  }
0x22: {  	s13 =	sadd.s32 $0x200, s13  }
0x23: {  	_ =	swait.ge [sflag:s9], $0x4000  }
0x24: {  	[sflag:s9] =	ssyncset.done $0x0  }
0x25: {  	[sflag:s9] =	ssyncadd.s32 $0xFFFFC000;
	s12 =	sadd.s32 $0x1, s12  }
0x26: {  	s13 =	simm.s32 @!p0 $0x1C01;
	[bflag:$0x0] =	sbarrier.arrive $0xFFFF;
	p1 =	sne.s32 s12, s7  }
0x27: {  	[hbm:s6], [sflag:s13] =	dma.local @!p0 [spmem:s8], $0x27180  }
.Ltmp1:
0x28: {  	_ = 	snop;
	(pc) =	sbr.rel @p1 .LBB2_1-.Ltmp1, $4  }
0x29: {  	s13 =	simm.s32 @!p0 $0x1  }
0x2a: {  	_ =	swait.ge @!p0 [sflag:s13], $0x27180  }
0x2b: {  	[sflag:s13] =	ssyncset.done @!p0 $0x0  }
0x2c: {  	[sflag:s13] =	ssyncadd.s32 @!p0 $0xFFFD8E80  }
0x2d: {  	_ =	sfence.sel $0x180000  }
0x2e: {  	[bflag:$0x0] =	sbarrier.arrive $0xFFFF  }
0x2f: {  	_ =	strace $0x9000004A  }
0x30: {  	s0 =	sadd.s32 @!p0 $0x100000, s0;
	[bflag:$0x2] =	sbarrier.arrive $0xFFFF  }
0x31: {  	[sflag:s0] =	ssyncadd.tile.s32 @!p0 $0x1;
	_ =	shalt  }
.Lfunc_end2:
_tile_overlayer_lowered:
.L_overlay_start_2:
0x32: {  	(tag) =	ssettag $0x2  }
0x33: {  	s0 =	rddreg [dreg:$0x0];
	s2 =	stileid.u32  }
0x34: {  	s1 =	rddreg [dreg:$0x1];
	p0 =	sne.s32 s2, $0x0  }
0x35: {  	s3 =	rddreg [dreg:$0x2];
	[bflag:$0x3] =	sbarrier.arrive $0xFFFF;
	s2 =	simm.s32 @!p0 $0x1C01  }
0x36: {  	[timem:s3], [sflag:s2] =	dma.local @!p0 [hbm:s0], s1  }
0x37: {  	s0 =	simm.s32 @!p0 $0x1  }
0x38: {  	_ =	swait.ge @!p0 [sflag:s0], s1  }
0x39: {  	s1 =	ssub.s32 @!p0 $0x0, s1;
	[sflag:s0] =	ssyncset.done @!p0 $0x0  }
0x3a: {  	[sflag:s0] =	ssyncadd.s32 @!p0 s1  }
0x3b: {  	[bflag:$0x3] =	sbarrier.arrive $0xFFFF  }
0x3c: {  	_ =	shalt  }

</sc_bundles>
